<compile_context>
chip_gen: v7x
topology: tpu7x:2x2x1
jax: 0.10.2.dev20260603
libtpu: 0.0.44.dev20260713+nightly
codegen_flags: <defaults>
</compile_context>

<pallas_src>
import functools

import jax
import jax.numpy as jnp
from jax import lax
from jax.experimental import pallas as pl
from jax.experimental.pallas import tpu as pltpu
from jax.experimental.pallas import tpu_sc as plsc

B, T = 512, 17
SLOT_DIM, EMB_DIM, ACTION_DIM, NUM_ACTIONS = 64, 64, 32, 8192

N_PAD = B * T
N_VALID = B * (T - 1)
BLK_B = 128
BLK_R = BLK_B * T
GRID = B // BLK_B
CB_CHUNK = 2048
N_CHUNKS = NUM_ACTIONS // CB_CHUNK
TILE = 128
BIG_I32 = 2**30


def _tc_body(slots_ref, noise_ref, we_ref, be_ref, wm_ref, bm_ref, wv_ref,
             bv_ref, cb_ref, cc_ref, z_ref, idx_ref, z_s, zz_s, bv_s, bi_s):
    w = pl.program_id(1)

    @pl.when(w == 0)
    def _prologue():
        x = slots_ref[...]
        tokens = jnp.maximum(
            jnp.dot(x, we_ref[...], preferred_element_type=jnp.float32)
            + be_ref[...], 0.0)
        mean = jnp.dot(tokens, wm_ref[...],
                       preferred_element_type=jnp.float32) + bm_ref[...]
        var = jnp.abs(
            jnp.dot(tokens, wv_ref[...], preferred_element_type=jnp.float32)
            + bv_ref[...])
        mean_n = pltpu.roll(mean, BLK_R - 1, 0)
        var_n = pltpu.roll(var, BLK_R - 1, 0)
        adm = mean_n - mean
        adv = var_n + var
        z = noise_ref[...] * jnp.sqrt(adv + 1e-6) + adm
        z_ref[...] = z
        z_s[...] = z
        zz_s[...] = jnp.sum(z * z, axis=1, keepdims=True)
        bv_s[...] = jnp.full((BLK_R, 1), jnp.inf, jnp.float32)
        bi_s[...] = jnp.zeros((BLK_R, 1), jnp.int32)

    z = z_s[...]
    z2 = z + z
    zz = zz_s[...]
    col0 = lax.broadcasted_iota(jnp.int32, (BLK_R, TILE), 1)
    rv = ri = None
    for t in range(CB_CHUNK // TILE):
        cbt = cb_ref[pl.ds(t * TILE, TILE), :]
        s2 = lax.dot_general(z2, cbt, (((1,), (1,)), ((), ())),
                             preferred_element_type=jnp.float32)
        dist = (zz - s2) + cc_ref[0:1, pl.ds(t * TILE, TILE)]
        if t == 0:
            rv, ri = dist, col0
        else:
            updt = dist < rv
            ri = jnp.where(updt, col0 + t * TILE, ri)
            rv = jnp.where(updt, dist, rv)
    lv = jnp.min(rv, axis=1, keepdims=True)
    li = jnp.min(jnp.where(rv == lv, ri, BIG_I32), axis=1,
                 keepdims=True) + w * CB_CHUNK
    bv = bv_s[...]
    upd = lv < bv
    bi_s[...] = jnp.where(upd, li, bi_s[...])
    bv_s[...] = jnp.where(upd, lv, bv).astype(jnp.bfloat16).astype(
        jnp.float32)

    @pl.when(w == N_CHUNKS - 1)
    def _epilogue():
        idx_ref[...] = bi_s[...]


_tc_call = pl.pallas_call(
    _tc_body,
    grid=(GRID, N_CHUNKS),
    in_specs=[
        pl.BlockSpec((BLK_R, SLOT_DIM), lambda i, w: (i, 0)),
        pl.BlockSpec((BLK_R, ACTION_DIM), lambda i, w: (i, 0)),
        pl.BlockSpec((SLOT_DIM, EMB_DIM), lambda i, w: (0, 0)),
        pl.BlockSpec((1, EMB_DIM), lambda i, w: (0, 0)),
        pl.BlockSpec((EMB_DIM, ACTION_DIM), lambda i, w: (0, 0)),
        pl.BlockSpec((1, ACTION_DIM), lambda i, w: (0, 0)),
        pl.BlockSpec((EMB_DIM, ACTION_DIM), lambda i, w: (0, 0)),
        pl.BlockSpec((1, ACTION_DIM), lambda i, w: (0, 0)),
        pl.BlockSpec((CB_CHUNK, ACTION_DIM), lambda i, w: (w, 0)),
        pl.BlockSpec((1, CB_CHUNK), lambda i, w: (0, w)),
    ],
    out_specs=[
        pl.BlockSpec((BLK_R, ACTION_DIM), lambda i, w: (i, 0)),
        pl.BlockSpec((BLK_R, 1), lambda i, w: (i, 0)),
    ],
    out_shape=[
        jax.ShapeDtypeStruct((N_PAD, ACTION_DIM), jnp.float32),
        jax.ShapeDtypeStruct((N_PAD, 1), jnp.int32),
    ],
    scratch_shapes=[
        pltpu.VMEM((BLK_R, ACTION_DIM), jnp.float32),
        pltpu.VMEM((BLK_R, 1), jnp.float32),
        pltpu.VMEM((BLK_R, 1), jnp.float32),
        pltpu.VMEM((BLK_R, 1), jnp.int32),
    ],
    compiler_params=pltpu.CompilerParams(
        dimension_semantics=("arbitrary", "arbitrary")),
)


_NC, _NS = 2, 16
_NW = _NC * _NS
_RPW = N_VALID // _NW
_IDX_MINOR = 128
_IPW = _RPW // _IDX_MINOR


def _sc_body(cb_hbm, idx_hbm, z_hbm, zq_hbm, part_hbm, idx_v, rows_v, z_v,
             part_v, sem):
    wid = lax.axis_index("s") * _NC + lax.axis_index("c")
    base = wid * _RPW
    pltpu.sync_copy(idx_hbm.at[pl.ds(wid * _IPW, _IPW)], idx_v)
    for j in range(_IPW):
        pltpu.async_copy(cb_hbm.at[idx_v.at[j]],
                         rows_v.at[pl.ds(j * _IDX_MINOR, _IDX_MINOR)],
                         sem).wait()
    pltpu.sync_copy(z_hbm.at[pl.ds(base, _RPW)], z_v)

    def row(i, acc):
        for h in (0, 16):
            q = rows_v[i, pl.ds(h, 16)]
            zv = z_v[i, pl.ds(h, 16)]
            d = q - zv
            rows_v[i, pl.ds(h, 16)] = zv + d
            acc = acc + d * d
        return acc

    acc = lax.fori_loop(0, _RPW, row, jnp.zeros((16,), jnp.float32))
    part_v[...] = acc
    pltpu.sync_copy(part_v, part_hbm.at[wid])
    pltpu.sync_copy(rows_v, zq_hbm.at[pl.ds(base, _RPW)])


@functools.cache
def _sc_call():
    return functools.partial(
        pl.kernel,
        out_type=[
            jax.ShapeDtypeStruct((N_VALID, ACTION_DIM), jnp.float32),
            jax.ShapeDtypeStruct((_NW, 16), jnp.float32),
        ],
        scratch_types=[
            pltpu.VMEM((_IPW, _IDX_MINOR), jnp.int32),
            pltpu.VMEM((_RPW, ACTION_DIM), jnp.float32),
            pltpu.VMEM((_RPW, ACTION_DIM), jnp.float32),
            pltpu.VMEM((16,), jnp.float32),
            pltpu.SemaphoreType.DMA,
        ],
        mesh=plsc.VectorSubcoreMesh(core_axis_name="c", subcore_axis_name="s"),
        compiler_params=pltpu.CompilerParams(use_tc_tiling_on_sc=False),
    )(_sc_body)


def kernel(slots, noise, W_enc, b_enc, W_mean, b_mean, W_var, b_var, codebook):
    slots_flat = slots.reshape(N_PAD, SLOT_DIM)
    noise_pad = jnp.pad(noise, ((0, 0), (0, 1), (0, 0))).reshape(N_PAD,
                                                                 ACTION_DIM)
    cc_row = jnp.sum(codebook ** 2, axis=1)[None, :]
    z_pad, idx_pad = _tc_call(
        slots_flat, noise_pad, W_enc, b_enc.reshape(1, EMB_DIM),
        W_mean, b_mean.reshape(1, ACTION_DIM),
        W_var, b_var.reshape(1, ACTION_DIM), codebook, cc_row)
    idx = idx_pad.reshape(B, T)[:, : T - 1]
    z_c = z_pad.reshape(B, T, ACTION_DIM)[:, : T - 1, :].reshape(
        N_VALID, ACTION_DIM)
    idx2d = idx.reshape(N_VALID // _IDX_MINOR, _IDX_MINOR)
    zq_flat, parts = _sc_call()(codebook, idx2d, z_c)
    z_q_st = zq_flat.reshape(B, T - 1, ACTION_DIM)
    m = jnp.sum(parts) / float(N_VALID * ACTION_DIM)
    vq_loss = m + 0.25 * m
    return z_q_st, idx, vq_loss

# --- scband reference (transcript-rebuilt; emitter-appended) ---
"""Pipeline reference for scband-base-slot-latent-action-6390911337111 (READ-ONLY COPY).

The authoritative reference and input builder live on the scoring server;
editing this copy changes nothing except your own understanding.
"""

import jax, jax.numpy as jnp
import numpy as np

B, T = 512, 17
SLOT_DIM, EMB_DIM, ACTION_DIM, NUM_ACTIONS = 64, 64, 32, 8192


def setup_inputs(seed: int = 0) -> dict:
    key = jax.random.key(seed)
    ks = jax.random.split(key, 10)
    slots = jax.random.normal(ks[0], (B, T, SLOT_DIM), dtype=jnp.float32)
    noise = jax.random.normal(ks[1], (B, T - 1, ACTION_DIM), dtype=jnp.float32)
    W_enc = jax.random.normal(ks[2], (SLOT_DIM, EMB_DIM), dtype=jnp.float32) * 0.05
    b_enc = jnp.zeros((EMB_DIM,), dtype=jnp.float32)
    W_mean = jax.random.normal(ks[3], (EMB_DIM, ACTION_DIM), dtype=jnp.float32) * 0.05
    b_mean = jnp.zeros((ACTION_DIM,), dtype=jnp.float32)
    W_var = jax.random.normal(ks[4], (EMB_DIM, ACTION_DIM), dtype=jnp.float32) * 0.05
    b_var = jnp.zeros((ACTION_DIM,), dtype=jnp.float32)
    codebook = jax.random.normal(ks[5], (NUM_ACTIONS, ACTION_DIM), dtype=jnp.float32) * 0.05
    return {
        "slots": slots,
        "noise": noise,
        "W_enc": W_enc,
        "b_enc": b_enc,
        "W_mean": W_mean,
        "b_mean": b_mean,
        "W_var": W_var,
        "b_var": b_var,
        "codebook": codebook,
    }


def reference(slots, noise, W_enc, b_enc, W_mean, b_mean, W_var, b_var, codebook):
    # slot encoder (linear + relu), one token per frame
    tokens = jnp.maximum(jnp.einsum("btd,de->bte", slots, W_enc) + b_enc, 0.0)
    # comput_action_dist
    mean_token = jnp.einsum("bte,ea->bta", tokens, W_mean) + b_mean
    var_token = jnp.abs(jnp.einsum("bte,ea->bta", tokens, W_var) + b_var)
    action_dir_mean = mean_token[:, 1:] - mean_token[:, :-1]
    action_dir_var = var_token[:, 1:] + var_token[:, :-1]
    # sample (reparameterized with externally supplied noise)
    z = noise * jnp.sqrt(action_dir_var + 1e-6) + action_dir_mean
    # VectorQuantizer (copy-gradients / straight-through trick, nbooks=1)
    z_flat = z.reshape(-1, codebook.shape[1])
    dist = (
        jnp.sum(z_flat ** 2, axis=1, keepdims=True)
        - 2.0 * z_flat @ codebook.T
        + jnp.sum(codebook ** 2, axis=1)[None, :]
    )
    idx = jnp.argmin(dist, axis=1)
    z_q = jnp.take(codebook, idx, axis=0).reshape(z.shape)
    commit_loss = jnp.mean((z - jax.lax.stop_gradient(z_q)) ** 2)
    codebook_loss = jnp.mean((jax.lax.stop_gradient(z) - z_q) ** 2)
    vq_loss = codebook_loss + 0.25 * commit_loss
    z_q_st = z + jax.lax.stop_gradient(z_q - z)
    return z_q_st, idx.reshape(z.shape[:-1]), vq_loss

if __name__ == "__main__":
    import jax
    _d = setup_inputs()
    print(jax.jit(kernel)(*tuple(_d.values())))

</pallas_src>

<mosaic_0001>
#map = affine_map<(d0, d1) -> (0, 0)>
module attributes {stable_mosaic.version = 14 : i64} {
  func.func @_sc_body(%arg0: i32, %arg1: i32, %arg2: memref<8192x32xf32, #tpu.memory_space<hbm>>, %arg3: memref<64x128xi32, #tpu.memory_space<hbm>>, %arg4: memref<8192x32xf32, #tpu.memory_space<hbm>>, %arg5: memref<8192x32xf32, #tpu.memory_space<hbm>>, %arg6: memref<32x16xf32, #tpu.memory_space<hbm>>, %arg7: memref<2x128xi32, #tpu.memory_space<vmem>>, %arg8: memref<256x32xf32, #tpu.memory_space<vmem>>, %arg9: memref<256x32xf32, #tpu.memory_space<vmem>>, %arg10: memref<16xf32, #tpu.memory_space<vmem>>, %arg11: memref<!tpu.dma_semaphore, #tpu.memory_space<semaphore_mem>>) attributes {dimension_semantics = [#tpu.dimension_semantics<core_parallel>, #tpu.dimension_semantics<subcore_parallel>], iteration_bounds = array<i64: 2, 16>, scalar_prefetch = 0 : i64, scratch_operands = 5 : i64, tpu.core_type = #tpu.core_type<sc_vector_subcore>, window_params = [{transform_indices = #map}, {transform_indices = #map}, {transform_indices = #map}, {transform_indices = #map}, {transform_indices = #map}]} {
    %mul3A = arith.constant 2 : i32
    %mul3A_0 = arith.muli %arg1, %mul3A : i32
    %add3A = arith.addi %mul3A_0, %arg0 : i32
    %mul3A_1 = arith.constant 256 : i32
    %mul3A_2 = arith.muli %add3A, %mul3A_1 : i32
    %mul3A_3 = arith.constant 2 : i32
    %mul3A_4 = arith.muli %add3A, %mul3A_3 : i32
    "tpu.region"() ({
      %run_scoped3A = tpu.sem_alloc : memref<!tpu.dma_semaphore, #tpu.memory_space<semaphore_mem>>
      %dma_start3A_52 = arith.constant 0 : i32
      %dma_start3A_53 = tpu.memref_slice %arg3[%mul3A_4, %dma_start3A_52] : memref<64x128xi32, #tpu.memory_space<hbm>> -> memref<2x128xi32, #tpu.memory_space<hbm>>
      %dma_start3A_54 = arith.constant 0 : i32
      %dma_start3A_55 = tpu.memref_slice %arg3[%mul3A_4, %dma_start3A_54] : memref<64x128xi32, #tpu.memory_space<hbm>> -> memref<2x128xi32, #tpu.memory_space<hbm>>
      tpu.enqueue_dma source(%dma_start3A_55 : memref<2x128xi32, #tpu.memory_space<hbm>>) target(%arg7 : memref<2x128xi32, #tpu.memory_space<vmem>>) target_semaphore(%run_scoped3A : memref<!tpu.dma_semaphore, #tpu.memory_space<semaphore_mem>>)
      %dma_wait3A_56 = arith.constant 0 : i32
      %dma_wait3A_57 = tpu.memref_slice %arg3[%mul3A_4, %dma_wait3A_56] : memref<64x128xi32, #tpu.memory_space<hbm>> -> memref<2x128xi32, #tpu.memory_space<hbm>>
      %dma_wait3A_58 = arith.constant 0 : i32
      %dma_wait3A_59 = tpu.memref_slice %arg3[%mul3A_4, %dma_wait3A_58] : memref<64x128xi32, #tpu.memory_space<hbm>> -> memref<2x128xi32, #tpu.memory_space<hbm>>
      tpu.wait_dma2 semaphore(%run_scoped3A : memref<!tpu.dma_semaphore, #tpu.memory_space<semaphore_mem>>) src(%dma_wait3A_59 : memref<2x128xi32, #tpu.memory_space<hbm>>) dst(%arg7 : memref<2x128xi32, #tpu.memory_space<vmem>>)
      tpu.yield
    }) : () -> ()
    %dma_start3A = arith.constant 0 : i32
    %dma_start3A_5 = arith.constant 0 : i32
    %dma_start3A_6 = arith.constant 0 : i32
    %dma_start3A_7 = tpu.memref_slice %arg8[%dma_start3A_5, %dma_start3A_6] : memref<256x32xf32, #tpu.memory_space<vmem>> -> memref<128x32xf32, #tpu.memory_space<vmem>>
    %dma_start3A_8 = arith.constant 0 : i32
    %dma_start3A_9 = tpu.memref_slice %arg7[%dma_start3A, %dma_start3A_8] : memref<2x128xi32, #tpu.memory_space<vmem>> -> memref<1x128xi32, #tpu.memory_space<vmem>>
    %dma_start3A_10 = tpu.memref_squeeze %dma_start3A_9 : memref<1x128xi32, #tpu.memory_space<vmem>> -> memref<128xi32, #tpu.memory_space<vmem>>
    %dma_start3A_11 = arith.constant 0 : i32
    %dma_start3A_12 = arith.constant 0 : i32
    %dma_start3A_13 = tpu.memref_slice %arg2[%dma_start3A_11, %dma_start3A_12] : memref<8192x32xf32, #tpu.memory_space<hbm>> -> memref<8192x32xf32, #tpu.memory_space<hbm>>
    tpu.enqueue_indirect_dma source(%dma_start3A_13 : memref<8192x32xf32, #tpu.memory_space<hbm>>) target(%dma_start3A_7 : memref<128x32xf32, #tpu.memory_space<vmem>>) offsets(%dma_start3A_10 : memref<128xi32, #tpu.memory_space<vmem>>) semaphore(%arg11 : memref<!tpu.dma_semaphore, #tpu.memory_space<semaphore_mem>>)
    %dma_wait3A = arith.constant 0 : i32
    %dma_wait3A_14 = arith.constant 0 : i32
    %dma_wait3A_15 = arith.constant 0 : i32
    %dma_wait3A_16 = tpu.memref_slice %arg8[%dma_wait3A_14, %dma_wait3A_15] : memref<256x32xf32, #tpu.memory_space<vmem>> -> memref<128x32xf32, #tpu.memory_space<vmem>>
    %dma_wait3A_17 = arith.constant 0 : i32
    %dma_wait3A_18 = tpu.memref_slice %arg7[%dma_wait3A, %dma_wait3A_17] : memref<2x128xi32, #tpu.memory_space<vmem>> -> memref<1x128xi32, #tpu.memory_space<vmem>>
    %dma_wait3A_19 = tpu.memref_squeeze %dma_wait3A_18 : memref<1x128xi32, #tpu.memory_space<vmem>> -> memref<128xi32, #tpu.memory_space<vmem>>
    %dma_wait3A_20 = arith.constant 0 : i32
    %dma_wait3A_21 = arith.constant 0 : i32
    %dma_wait3A_22 = tpu.memref_slice %arg2[%dma_wait3A_20, %dma_wait3A_21] : memref<8192x32xf32, #tpu.memory_space<hbm>> -> memref<8192x32xf32, #tpu.memory_space<hbm>>
    tpu.wait_indirect_dma semaphore(%arg11 : memref<!tpu.dma_semaphore, #tpu.memory_space<semaphore_mem>>) src(%dma_wait3A_22 : memref<8192x32xf32, #tpu.memory_space<hbm>>) dst(%dma_wait3A_16 : memref<128x32xf32, #tpu.memory_space<vmem>>)
    %dma_start3A_23 = arith.constant 1 : i32
    %dma_start3A_24 = arith.constant 128 : i32
    %dma_start3A_25 = arith.constant 0 : i32
    %dma_start3A_26 = tpu.memref_slice %arg8[%dma_start3A_24, %dma_start3A_25] : memref<256x32xf32, #tpu.memory_space<vmem>> -> memref<128x32xf32, #tpu.memory_space<vmem>>
    %dma_start3A_27 = arith.constant 0 : i32
    %dma_start3A_28 = tpu.memref_slice %arg7[%dma_start3A_23, %dma_start3A_27] : memref<2x128xi32, #tpu.memory_space<vmem>> -> memref<1x128xi32, #tpu.memory_space<vmem>>
    %dma_start3A_29 = tpu.memref_squeeze %dma_start3A_28 : memref<1x128xi32, #tpu.memory_space<vmem>> -> memref<128xi32, #tpu.memory_space<vmem>>
    %dma_start3A_30 = arith.constant 0 : i32
    %dma_start3A_31 = arith.constant 0 : i32
    %dma_start3A_32 = tpu.memref_slice %arg2[%dma_start3A_30, %dma_start3A_31] : memref<8192x32xf32, #tpu.memory_space<hbm>> -> memref<8192x32xf32, #tpu.memory_space<hbm>>
    tpu.enqueue_indirect_dma source(%dma_start3A_32 : memref<8192x32xf32, #tpu.memory_space<hbm>>) target(%dma_start3A_26 : memref<128x32xf32, #tpu.memory_space<vmem>>) offsets(%dma_start3A_29 : memref<128xi32, #tpu.memory_space<vmem>>) semaphore(%arg11 : memref<!tpu.dma_semaphore, #tpu.memory_space<semaphore_mem>>)
    %dma_wait3A_33 = arith.constant 1 : i32
    %dma_wait3A_34 = arith.constant 128 : i32
    %dma_wait3A_35 = arith.constant 0 : i32
    %dma_wait3A_36 = tpu.memref_slice %arg8[%dma_wait3A_34, %dma_wait3A_35] : memref<256x32xf32, #tpu.memory_space<vmem>> -> memref<128x32xf32, #tpu.memory_space<vmem>>
    %dma_wait3A_37 = arith.constant 0 : i32
    %dma_wait3A_38 = tpu.memref_slice %arg7[%dma_wait3A_33, %dma_wait3A_37] : memref<2x128xi32, #tpu.memory_space<vmem>> -> memref<1x128xi32, #tpu.memory_space<vmem>>
    %dma_wait3A_39 = tpu.memref_squeeze %dma_wait3A_38 : memref<1x128xi32, #tpu.memory_space<vmem>> -> memref<128xi32, #tpu.memory_space<vmem>>
    %dma_wait3A_40 = arith.constant 0 : i32
    %dma_wait3A_41 = arith.constant 0 : i32
    %dma_wait3A_42 = tpu.memref_slice %arg2[%dma_wait3A_40, %dma_wait3A_41] : memref<8192x32xf32, #tpu.memory_space<hbm>> -> memref<8192x32xf32, #tpu.memory_space<hbm>>
    tpu.wait_indirect_dma semaphore(%arg11 : memref<!tpu.dma_semaphore, #tpu.memory_space<semaphore_mem>>) src(%dma_wait3A_42 : memref<8192x32xf32, #tpu.memory_space<hbm>>) dst(%dma_wait3A_36 : memref<128x32xf32, #tpu.memory_space<vmem>>)
    "tpu.region"() ({
      %run_scoped3A = tpu.sem_alloc : memref<!tpu.dma_semaphore, #tpu.memory_space<semaphore_mem>>
      %dma_start3A_52 = arith.constant 0 : i32
      %dma_start3A_53 = tpu.memref_slice %arg4[%mul3A_2, %dma_start3A_52] : memref<8192x32xf32, #tpu.memory_space<hbm>> -> memref<256x32xf32, #tpu.memory_space<hbm>>
      %dma_start3A_54 = arith.constant 0 : i32
      %dma_start3A_55 = tpu.memref_slice %arg4[%mul3A_2, %dma_start3A_54] : memref<8192x32xf32, #tpu.memory_space<hbm>> -> memref<256x32xf32, #tpu.memory_space<hbm>>
      tpu.enqueue_dma source(%dma_start3A_55 : memref<256x32xf32, #tpu.memory_space<hbm>>) target(%arg9 : memref<256x32xf32, #tpu.memory_space<vmem>>) target_semaphore(%run_scoped3A : memref<!tpu.dma_semaphore, #tpu.memory_space<semaphore_mem>>)
      %dma_wait3A_56 = arith.constant 0 : i32
      %dma_wait3A_57 = tpu.memref_slice %arg4[%mul3A_2, %dma_wait3A_56] : memref<8192x32xf32, #tpu.memory_space<hbm>> -> memref<256x32xf32, #tpu.memory_space<hbm>>
      %dma_wait3A_58 = arith.constant 0 : i32
      %dma_wait3A_59 = tpu.memref_slice %arg4[%mul3A_2, %dma_wait3A_58] : memref<8192x32xf32, #tpu.memory_space<hbm>> -> memref<256x32xf32, #tpu.memory_space<hbm>>
      tpu.wait_dma2 semaphore(%run_scoped3A : memref<!tpu.dma_semaphore, #tpu.memory_space<semaphore_mem>>) src(%dma_wait3A_59 : memref<256x32xf32, #tpu.memory_space<hbm>>) dst(%arg9 : memref<256x32xf32, #tpu.memory_space<vmem>>)
      tpu.yield
    }) : () -> ()
    %broadcast_in_dim3A = arith.constant 0.000000e+00 : f32
    %broadcast_in_dim3A_43 = vector.broadcast %broadcast_in_dim3A : f32 to vector<16xf32>
    %scan3A = arith.constant 0 : i32
    %scan3A_44 = arith.constant 256 : i32
    %scan3A_45 = arith.addi %scan3A, %scan3A_44 : i32
    %scan3A_46 = arith.constant 1 : i32
    %scan3A_47 = scf.for %scan3A_52 = %scan3A to %scan3A_45 step %scan3A_46 iter_args(%scan3A_53 = %broadcast_in_dim3A_43) -> (vector<16xf32>)  : i32 {
      %get3A = arith.index_cast %scan3A_52 : i32 to index
      %get3A_54 = arith.constant 0 : index
      %get3A_55 = tpu.vector_load %arg8[%get3A, %get3A_54] {strides = array<i32>} : memref<256x32xf32, #tpu.memory_space<vmem>>, vector<1x16xf32>,
      %get3A_56 = vector.shape_cast %get3A_55 : vector<1x16xf32> to vector<16xf32>
      %get3A_57 = arith.index_cast %scan3A_52 : i32 to index
      %get3A_58 = arith.constant 0 : index
      %get3A_59 = tpu.vector_load %arg9[%get3A_57, %get3A_58] {strides = array<i32>} : memref<256x32xf32, #tpu.memory_space<vmem>>, vector<1x16xf32>,
      %get3A_60 = vector.shape_cast %get3A_59 : vector<1x16xf32> to vector<16xf32>
      %sub3A = arith.subf %get3A_56, %get3A_60 : vector<16xf32>
      %add3A_61 = arith.addf %get3A_60, %sub3A : vector<16xf32>
      %swap3A_62 = arith.index_cast %scan3A_52 : i32 to index
      %swap3A_63 = arith.constant 0 : index
      %swap3A_64 = tpu.vector_load %arg8[%swap3A_62, %swap3A_63] {strides = array<i32>} : memref<256x32xf32, #tpu.memory_space<vmem>>, vector<1x16xf32>,
      %swap3A_65 = vector.shape_cast %swap3A_64 : vector<1x16xf32> to vector<16xf32>
      %swap3A_66 = vector.shape_cast %add3A_61 : vector<16xf32> to vector<1x16xf32>
      tpu.vector_store %arg8[%swap3A_62, %swap3A_63], %swap3A_66 {strides = array<i32>} : memref<256x32xf32, #tpu.memory_space<vmem>>, vector<1x16xf32>,
      %mul3A_67 = arith.mulf %sub3A, %sub3A : vector<16xf32>
      %add3A_68 = arith.addf %scan3A_53, %mul3A_67 : vector<16xf32>
      %get3A_69 = arith.index_cast %scan3A_52 : i32 to index
      %get3A_70 = arith.constant 16 : index
      %get3A_71 = tpu.vector_load %arg8[%get3A_69, %get3A_70] {strides = array<i32>} : memref<256x32xf32, #tpu.memory_space<vmem>>, vector<1x16xf32>,
      %get3A_72 = vector.shape_cast %get3A_71 : vector<1x16xf32> to vector<16xf32>
      %get3A_73 = arith.index_cast %scan3A_52 : i32 to index
      %get3A_74 = arith.constant 16 : index
      %get3A_75 = tpu.vector_load %arg9[%get3A_73, %get3A_74] {strides = array<i32>} : memref<256x32xf32, #tpu.memory_space<vmem>>, vector<1x16xf32>,
      %get3A_76 = vector.shape_cast %get3A_75 : vector<1x16xf32> to vector<16xf32>
      %sub3A_77 = arith.subf %get3A_72, %get3A_76 : vector<16xf32>
      %add3A_78 = arith.addf %get3A_76, %sub3A_77 : vector<16xf32>
      %swap3A_79 = arith.index_cast %scan3A_52 : i32 to index
      %swap3A_80 = arith.constant 16 : index
      %swap3A_81 = tpu.vector_load %arg8[%swap3A_79, %swap3A_80] {strides = array<i32>} : memref<256x32xf32, #tpu.memory_space<vmem>>, vector<1x16xf32>,
      %swap3A_82 = vector.shape_cast %swap3A_81 : vector<1x16xf32> to vector<16xf32>
      %swap3A_83 = vector.shape_cast %add3A_78 : vector<16xf32> to vector<1x16xf32>
      tpu.vector_store %arg8[%swap3A_79, %swap3A_80], %swap3A_83 {strides = array<i32>} : memref<256x32xf32, #tpu.memory_space<vmem>>, vector<1x16xf32>,
      %mul3A_84 = arith.mulf %sub3A_77, %sub3A_77 : vector<16xf32>
      %add3A_85 = arith.addf %add3A_68, %mul3A_84 : vector<16xf32>
      scf.yield %add3A_85 : vector<16xf32>
    }
    %scan3A_48 = arith.constant 256 : i32
    %swap3A = arith.constant 0 : index
    %swap3A_49 = tpu.vector_load %arg10[%swap3A] {strides = array<i32>} : memref<16xf32, #tpu.memory_space<vmem>>, vector<16xf32>,
    %swap3A_50 = vector.shape_cast %swap3A_49 : vector<16xf32> to vector<16xf32>
    %swap3A_51 = vector.shape_cast %scan3A_47 : vector<16xf32> to vector<16xf32>
    tpu.vector_store %arg10[%swap3A], %swap3A_51 {strides = array<i32>} : memref<16xf32, #tpu.memory_space<vmem>>, vector<16xf32>,
    "tpu.region"() ({
      %run_scoped3A = tpu.sem_alloc : memref<!tpu.dma_semaphore, #tpu.memory_space<semaphore_mem>>
      %dma_start3A_52 = arith.constant 0 : i32
      %dma_start3A_53 = tpu.memref_slice %arg6[%add3A, %dma_start3A_52] : memref<32x16xf32, #tpu.memory_space<hbm>> -> memref<1x16xf32, #tpu.memory_space<hbm>>
      %dma_start3A_54 = tpu.memref_squeeze %dma_start3A_53 : memref<1x16xf32, #tpu.memory_space<hbm>> -> memref<16xf32, #tpu.memory_space<hbm>>
      %dma_start3A_55 = arith.constant 0 : i32
      %dma_start3A_56 = tpu.memref_slice %arg6[%add3A, %dma_start3A_55] : memref<32x16xf32, #tpu.memory_space<hbm>> -> memref<1x16xf32, #tpu.memory_space<hbm>>
      %dma_start3A_57 = tpu.memref_squeeze %dma_start3A_56 : memref<1x16xf32, #tpu.memory_space<hbm>> -> memref<16xf32, #tpu.memory_space<hbm>>
      tpu.enqueue_dma source(%arg10 : memref<16xf32, #tpu.memory_space<vmem>>) target(%dma_start3A_57 : memref<16xf32, #tpu.memory_space<hbm>>) target_semaphore(%run_scoped3A : memref<!tpu.dma_semaphore, #tpu.memory_space<semaphore_mem>>)
      %dma_wait3A_58 = arith.constant 0 : i32
      %dma_wait3A_59 = tpu.memref_slice %arg6[%add3A, %dma_wait3A_58] : memref<32x16xf32, #tpu.memory_space<hbm>> -> memref<1x16xf32, #tpu.memory_space<hbm>>
      %dma_wait3A_60 = tpu.memref_squeeze %dma_wait3A_59 : memref<1x16xf32, #tpu.memory_space<hbm>> -> memref<16xf32, #tpu.memory_space<hbm>>
      %dma_wait3A_61 = arith.constant 0 : i32
      %dma_wait3A_62 = tpu.memref_slice %arg6[%add3A, %dma_wait3A_61] : memref<32x16xf32, #tpu.memory_space<hbm>> -> memref<1x16xf32, #tpu.memory_space<hbm>>
      %dma_wait3A_63 = tpu.memref_squeeze %dma_wait3A_62 : memref<1x16xf32, #tpu.memory_space<hbm>> -> memref<16xf32, #tpu.memory_space<hbm>>
      tpu.wait_dma2 semaphore(%run_scoped3A : memref<!tpu.dma_semaphore, #tpu.memory_space<semaphore_mem>>) src(%arg10 : memref<16xf32, #tpu.memory_space<vmem>>) dst(%dma_wait3A_63 : memref<16xf32, #tpu.memory_space<hbm>>)
      tpu.yield
    }) : () -> ()
    "tpu.region"() ({
      %run_scoped3A = tpu.sem_alloc : memref<!tpu.dma_semaphore, #tpu.memory_space<semaphore_mem>>
      %dma_start3A_52 = arith.constant 0 : i32
      %dma_start3A_53 = tpu.memref_slice %arg5[%mul3A_2, %dma_start3A_52] : memref<8192x32xf32, #tpu.memory_space<hbm>> -> memref<256x32xf32, #tpu.memory_space<hbm>>
      %dma_start3A_54 = arith.constant 0 : i32
      %dma_start3A_55 = tpu.memref_slice %arg5[%mul3A_2, %dma_start3A_54] : memref<8192x32xf32, #tpu.memory_space<hbm>> -> memref<256x32xf32, #tpu.memory_space<hbm>>
      tpu.enqueue_dma source(%arg8 : memref<256x32xf32, #tpu.memory_space<vmem>>) target(%dma_start3A_55 : memref<256x32xf32, #tpu.memory_space<hbm>>) target_semaphore(%run_scoped3A : memref<!tpu.dma_semaphore, #tpu.memory_space<semaphore_mem>>)
      %dma_wait3A_56 = arith.constant 0 : i32
      %dma_wait3A_57 = tpu.memref_slice %arg5[%mul3A_2, %dma_wait3A_56] : memref<8192x32xf32, #tpu.memory_space<hbm>> -> memref<256x32xf32, #tpu.memory_space<hbm>>
      %dma_wait3A_58 = arith.constant 0 : i32
      %dma_wait3A_59 = tpu.memref_slice %arg5[%mul3A_2, %dma_wait3A_58] : memref<8192x32xf32, #tpu.memory_space<hbm>> -> memref<256x32xf32, #tpu.memory_space<hbm>>
      tpu.wait_dma2 semaphore(%run_scoped3A : memref<!tpu.dma_semaphore, #tpu.memory_space<semaphore_mem>>) src(%arg8 : memref<256x32xf32, #tpu.memory_space<vmem>>) dst(%dma_wait3A_59 : memref<256x32xf32, #tpu.memory_space<hbm>>)
      tpu.yield
    }) : () -> ()
    return
  }
}

module attributes {stable_mosaic.version = 14 : i64} {
  func.func @_tc_body(%arg0: i32, %arg1: i32, %arg2: memref<2176x64xf32, #tpu.memory_space<vmem>>, %arg3: memref<2176x32xf32, #tpu.memory_space<vmem>>, %arg4: memref<64x64xf32, #tpu.memory_space<vmem>>, %arg5: memref<1x64xf32, #tpu.memory_space<vmem>>, %arg6: memref<64x32xf32, #tpu.memory_space<vmem>>, %arg7: memref<1x32xf32, #tpu.memory_space<vmem>>, %arg8: memref<64x32xf32, #tpu.memory_space<vmem>>, %arg9: memref<1x32xf32, #tpu.memory_space<vmem>>, %arg10: memref<2048x32xf32, #tpu.memory_space<vmem>>, %arg11: memref<1x2048xf32, #tpu.memory_space<vmem>>, %arg12: memref<2176x32xf32, #tpu.memory_space<vmem>>, %arg13: memref<2176x1xi32, #tpu.memory_space<vmem>>, %arg14: memref<2176x32xf32, #tpu.memory_space<vmem>>, %arg15: memref<2176x1xf32, #tpu.memory_space<vmem>>, %arg16: memref<2176x1xf32, #tpu.memory_space<vmem>>, %arg17: memref<2176x1xi32, #tpu.memory_space<vmem>>) attributes {dimension_semantics = [#tpu.dimension_semantics<arbitrary>, #tpu.dimension_semantics<arbitrary>], iteration_bounds = array<i64: 4, 4>, scalar_prefetch = 0 : i64, scratch_operands = 4 : i64, tpu.core_type = #tpu.core_type<tc>, window_params = [{transform_indices = @transform_0, window_bounds = array<i64: 2176, 64>}, {transform_indices = @transform_1, window_bounds = array<i64: 2176, 32>}, {pipeline_mode = #tpu.pipeline_mode<synchronous>, transform_indices = @transform_2, window_bounds = array<i64: 64, 64>}, {pipeline_mode = #tpu.pipeline_mode<synchronous>, transform_indices = @transform_3, window_bounds = array<i64: 1, 64>}, {pipeline_mode = #tpu.pipeline_mode<synchronous>, transform_indices = @transform_4, window_bounds = array<i64: 64, 32>}, {pipeline_mode = #tpu.pipeline_mode<synchronous>, transform_indices = @transform_5, window_bounds = array<i64: 1, 32>}, {pipeline_mode = #tpu.pipeline_mode<synchronous>, transform_indices = @transform_6, window_bounds = array<i64: 64, 32>}, {pipeline_mode = #tpu.pipeline_mode<synchronous>, transform_indices = @transform_7, window_bounds = array<i64: 1, 32>}, {transform_indices = @transform_8, window_bounds = array<i64: 2048, 32>}, {transform_indices = @transform_9, window_bounds = array<i64: 1, 2048>}, {transform_indices = @transform_10, window_bounds = array<i64: 2176, 32>}, {transform_indices = @transform_11, window_bounds = array<i64: 2176, 1>}]} {
    %eq3A = arith.constant 0 : i32
    %eq3A_0 = arith.cmpi eq, %arg1, %eq3A : i32
    %convert_element_type3A = arith.extui %eq3A_0 : i1 to i32
    %cond3A = arith.constant 0 : i32
    %cond3A_1 = arith.cmpi ne, %convert_element_type3A, %cond3A : i32
    scf.if %cond3A_1 {
      %get3A_317 = arith.constant 0 : index
      %get3A_318 = arith.constant 0 : index
      %get3A_319 = vector.load %arg2[%get3A_317, %get3A_318] : memref<2176x64xf32, #tpu.memory_space<vmem>>, vector<2176x64xf32>
      %get3A_320 = arith.constant 0 : index
      %get3A_321 = arith.constant 0 : index
      %get3A_322 = vector.load %arg4[%get3A_320, %get3A_321] : memref<64x64xf32, #tpu.memory_space<vmem>>, vector<64x64xf32>
      %dot_general3A_323 = arith.constant dense<0.000000e+00> : vector<2176x64xf32>
      %dot_general3A_324 = tpu.matmul %get3A_319, %get3A_322, %dot_general3A_323 {dimension_numbers = #tpu.dot_dimension_numbers<[1], [0], [0], [1], [0, 0, 1, 1], [], []>, transpose_lhs_hint = false} : vector<2176x64xf32>, vector<64x64xf32>, vector<2176x64xf32> -> vector<2176x64xf32>
      %get3A_325 = arith.constant 0 : index
      %get3A_326 = arith.constant 0 : index
      %get3A_327 = vector.load %arg5[%get3A_325, %get3A_326] : memref<1x64xf32, #tpu.memory_space<vmem>>, vector<1x64xf32>
      %add3A_328 = vector.broadcast %get3A_327 : vector<1x64xf32> to vector<2176x64xf32>
      %add3A_329 = arith.addf %dot_general3A_324, %add3A_328 : vector<2176x64xf32>
      %max3A = arith.constant 0.000000e+00 : f32
      %max3A_330 = vector.broadcast %max3A : f32 to vector<2176x64xf32>
      %max3A_331 = arith.maximumf %add3A_329, %max3A_330 : vector<2176x64xf32>
      %get3A_332 = arith.constant 0 : index
      %get3A_333 = arith.constant 0 : index
      %get3A_334 = vector.load %arg6[%get3A_332, %get3A_333] : memref<64x32xf32, #tpu.memory_space<vmem>>, vector<64x32xf32>
      %dot_general3A_335 = arith.constant dense<0.000000e+00> : vector<2176x32xf32>
      %dot_general3A_336 = tpu.matmul %max3A_331, %get3A_334, %dot_general3A_335 {dimension_numbers = #tpu.dot_dimension_numbers<[1], [0], [0], [1], [0, 0, 1, 1], [], []>, transpose_lhs_hint = false} : vector<2176x64xf32>, vector<64x32xf32>, vector<2176x32xf32> -> vector<2176x32xf32>
      %get3A_337 = arith.constant 0 : index
      %get3A_338 = arith.constant 0 : index
      %get3A_339 = vector.load %arg7[%get3A_337, %get3A_338] : memref<1x32xf32, #tpu.memory_space<vmem>>, vector<1x32xf32>
      %add3A_340 = vector.broadcast %get3A_339 : vector<1x32xf32> to vector<2176x32xf32>
      %add3A_341 = arith.addf %dot_general3A_336, %add3A_340 : vector<2176x32xf32>
      %get3A_342 = arith.constant 0 : index
      %get3A_343 = arith.constant 0 : index
      %get3A_344 = vector.load %arg8[%get3A_342, %get3A_343] : memref<64x32xf32, #tpu.memory_space<vmem>>, vector<64x32xf32>
      %dot_general3A_345 = arith.constant dense<0.000000e+00> : vector<2176x32xf32>
      %dot_general3A_346 = tpu.matmul %max3A_331, %get3A_344, %dot_general3A_345 {dimension_numbers = #tpu.dot_dimension_numbers<[1], [0], [0], [1], [0, 0, 1, 1], [], []>, transpose_lhs_hint = false} : vector<2176x64xf32>, vector<64x32xf32>, vector<2176x32xf32> -> vector<2176x32xf32>
      %get3A_347 = arith.constant 0 : index
      %get3A_348 = arith.constant 0 : index
      %get3A_349 = vector.load %arg9[%get3A_347, %get3A_348] : memref<1x32xf32, #tpu.memory_space<vmem>>, vector<1x32xf32>
      %add3A_350 = vector.broadcast %get3A_349 : vector<1x32xf32> to vector<2176x32xf32>
      %add3A_351 = arith.addf %dot_general3A_346, %add3A_350 : vector<2176x32xf32>
      %abs3A = math.absf %add3A_351 : vector<2176x32xf32>
      %roll3A = arith.constant 2175 : i32
      %roll3A_352 = tpu.dynamic_rotate %add3A_341 by %roll3A dim 0 : vector<2176x32xf32>, i32 -> vector<2176x32xf32>
      %roll3A_353 = arith.constant 2175 : i32
      %roll3A_354 = tpu.dynamic_rotate %abs3A by %roll3A_353 dim 0 : vector<2176x32xf32>, i32 -> vector<2176x32xf32>
      %sub3A_355 = arith.subf %roll3A_352, %add3A_341 : vector<2176x32xf32>
      %add3A_356 = arith.addf %roll3A_354, %abs3A : vector<2176x32xf32>
      %get3A_357 = arith.constant 0 : index
      %get3A_358 = arith.constant 0 : index
      %get3A_359 = vector.load %arg3[%get3A_357, %get3A_358] : memref<2176x32xf32, #tpu.memory_space<vmem>>, vector<2176x32xf32>
      %add3A_360 = arith.constant 9.99999997E-7 : f32
      %add3A_361 = vector.broadcast %add3A_360 : f32 to vector<2176x32xf32>
      %add3A_362 = arith.addf %add3A_356, %add3A_361 : vector<2176x32xf32>
      %sqrt3A = math.sqrt %add3A_362 : vector<2176x32xf32>
      %mul3A_363 = arith.mulf %get3A_359, %sqrt3A : vector<2176x32xf32>
      %add3A_364 = arith.addf %mul3A_363, %sub3A_355 : vector<2176x32xf32>
      %swap3A_365 = arith.constant 0 : index
      %swap3A_366 = arith.constant 0 : index
      %swap3A_367 = vector.load %arg12[%swap3A_365, %swap3A_366] : memref<2176x32xf32, #tpu.memory_space<vmem>>, vector<2176x32xf32>
      tpu.vector_store %arg12[%swap3A_365, %swap3A_366], %add3A_364 {strides = array<i32>} : memref<2176x32xf32, #tpu.memory_space<vmem>>, vector<2176x32xf32>,
      %swap3A_368 = arith.constant 0 : index
      %swap3A_369 = arith.constant 0 : index
      %swap3A_370 = vector.load %arg14[%swap3A_368, %swap3A_369] : memref<2176x32xf32, #tpu.memory_space<vmem>>, vector<2176x32xf32>
      tpu.vector_store %arg14[%swap3A_368, %swap3A_369], %add3A_364 {strides = array<i32>} : memref<2176x32xf32, #tpu.memory_space<vmem>>, vector<2176x32xf32>,
      %mul3A_371 = arith.mulf %add3A_364, %add3A_364 : vector<2176x32xf32>
      %reduce_sum3A = arith.constant dense<0.000000e+00> : vector<2176xf32>
      %reduce_sum3A_372 = vector.multi_reduction <add>, %mul3A_371, %reduce_sum3A [1] : vector<2176x32xf32> to vector<2176xf32>
      %broadcast_in_dim3A_373 = vector.shape_cast %reduce_sum3A_372 : vector<2176xf32> to vector<2176x1xf32>
      %swap3A_374 = arith.constant 0 : index
      %swap3A_375 = arith.constant 0 : index
      %swap3A_376 = vector.load %arg15[%swap3A_374, %swap3A_375] : memref<2176x1xf32, #tpu.memory_space<vmem>>, vector<2176x1xf32>
      tpu.vector_store %arg15[%swap3A_374, %swap3A_375], %broadcast_in_dim3A_373 {strides = array<i32>} : memref<2176x1xf32, #tpu.memory_space<vmem>>, vector<2176x1xf32>,
      %broadcast_in_dim3A_377 = arith.constant 0x7F800000 : f32
      %broadcast_in_dim3A_378 = vector.broadcast %broadcast_in_dim3A_377 : f32 to vector<2176x1xf32>
      %swap3A_379 = arith.constant 0 : index
      %swap3A_380 = arith.constant 0 : index
      %swap3A_381 = vector.load %arg16[%swap3A_379, %swap3A_380] : memref<2176x1xf32, #tpu.memory_space<vmem>>, vector<2176x1xf32>
      tpu.vector_store %arg16[%swap3A_379, %swap3A_380], %broadcast_in_dim3A_378 {strides = array<i32>} : memref<2176x1xf32, #tpu.memory_space<vmem>>, vector<2176x1xf32>,
      %broadcast_in_dim3A_382 = arith.constant 0 : i32
      %broadcast_in_dim3A_383 = vector.broadcast %broadcast_in_dim3A_382 : i32 to vector<2176x1xi32>
      %swap3A_384 = arith.constant 0 : index
      %swap3A_385 = arith.constant 0 : index
      %swap3A_386 = vector.load %arg17[%swap3A_384, %swap3A_385] : memref<2176x1xi32, #tpu.memory_space<vmem>>, vector<2176x1xi32>
      tpu.vector_store %arg17[%swap3A_384, %swap3A_385], %broadcast_in_dim3A_383 {strides = array<i32>} : memref<2176x1xi32, #tpu.memory_space<vmem>>, vector<2176x1xi32>,
    } else {
    }
    %get3A = arith.constant 0 : index
    %get3A_2 = arith.constant 0 : index
    %get3A_3 = vector.load %arg14[%get3A, %get3A_2] : memref<2176x32xf32, #tpu.memory_space<vmem>>, vector<2176x32xf32>
    %add3A = arith.addf %get3A_3, %get3A_3 : vector<2176x32xf32>
    %get3A_4 = arith.constant 0 : index
    %get3A_5 = arith.constant 0 : index
    %get3A_6 = vector.load %arg15[%get3A_4, %get3A_5] : memref<2176x1xf32, #tpu.memory_space<vmem>>, vector<2176x1xf32>
    %iota3A = tpu.iota {dimensions = array<i32: 1>} : vector<2176x128xi32>
    %get3A_7 = arith.constant 0 : index
    %get3A_8 = arith.constant 0 : index
    %get3A_9 = vector.load %arg10[%get3A_7, %get3A_8] : memref<2048x32xf32, #tpu.memory_space<vmem>>, vector<128x32xf32>
    %dot_general3A = arith.constant dense<0.000000e+00> : vector<2176x128xf32>
    %dot_general3A_10 = tpu.matmul %add3A, %get3A_9, %dot_general3A {dimension_numbers = #tpu.dot_dimension_numbers<[1], [1], [0], [0], [0, 0, 1, 0], [], []>, transpose_lhs_hint = false} : vector<2176x32xf32>, vector<128x32xf32>, vector<2176x128xf32> -> vector<2176x128xf32>
    %sub3A = vector.broadcast %get3A_6 : vector<2176x1xf32> to vector<2176x128xf32>
    %sub3A_11 = arith.subf %sub3A, %dot_general3A_10 : vector<2176x128xf32>
    %get3A_12 = arith.constant 0 : index
    %get3A_13 = arith.constant 0 : index
    %get3A_14 = vector.load %arg11[%get3A_12, %get3A_13] : memref<1x2048xf32, #tpu.memory_space<vmem>>, vector<1x128xf32>
    %add3A_15 = vector.broadcast %get3A_14 : vector<1x128xf32> to vector<2176x128xf32>
    %add3A_16 = arith.addf %sub3A_11, %add3A_15 : vector<2176x128xf32>
    %get3A_17 = arith.constant 128 : index
    %get3A_18 = arith.constant 0 : index
    %get3A_19 = vector.load %arg10[%get3A_17, %get3A_18] : memref<2048x32xf32, #tpu.memory_space<vmem>>, vector<128x32xf32>
    %dot_general3A_20 = arith.constant dense<0.000000e+00> : vector<2176x128xf32>
    %dot_general3A_21 = tpu.matmul %add3A, %get3A_19, %dot_general3A_20 {dimension_numbers = #tpu.dot_dimension_numbers<[1], [1], [0], [0], [0, 0, 1, 0], [], []>, transpose_lhs_hint = false} : vector<2176x32xf32>, vector<128x32xf32>, vector<2176x128xf32> -> vector<2176x128xf32>
    %sub3A_22 = vector.broadcast %get3A_6 : vector<2176x1xf32> to vector<2176x128xf32>
    %sub3A_23 = arith.subf %sub3A_22, %dot_general3A_21 : vector<2176x128xf32>
    %get3A_24 = arith.constant 0 : index
    %get3A_25 = arith.constant 128 : index
    %get3A_26 = vector.load %arg11[%get3A_24, %get3A_25] : memref<1x2048xf32, #tpu.memory_space<vmem>>, vector<1x128xf32>
    %add3A_27 = vector.broadcast %get3A_26 : vector<1x128xf32> to vector<2176x128xf32>
    %add3A_28 = arith.addf %sub3A_23, %add3A_27 : vector<2176x128xf32>
    %lt3A = arith.cmpf olt, %add3A_28, %add3A_16 : vector<2176x128xf32>
    %add3A_29 = arith.constant 128 : i32
    %add3A_30 = vector.broadcast %add3A_29 : i32 to vector<2176x128xi32>
    %add3A_31 = arith.addi %iota3A, %add3A_30 : vector<2176x128xi32>
    %select_n3A = arith.select %lt3A, %add3A_31, %iota3A : vector<2176x128xi1>, vector<2176x128xi32>
    %select_n3A_32 = arith.select %lt3A, %add3A_28, %add3A_16 : vector<2176x128xi1>, vector<2176x128xf32>
    %get3A_33 = arith.constant 256 : index
    %get3A_34 = arith.constant 0 : index
    %get3A_35 = vector.load %arg10[%get3A_33, %get3A_34] : memref<2048x32xf32, #tpu.memory_space<vmem>>, vector<128x32xf32>
    %dot_general3A_36 = arith.constant dense<0.000000e+00> : vector<2176x128xf32>
    %dot_general3A_37 = tpu.matmul %add3A, %get3A_35, %dot_general3A_36 {dimension_numbers = #tpu.dot_dimension_numbers<[1], [1], [0], [0], [0, 0, 1, 0], [], []>, transpose_lhs_hint = false} : vector<2176x32xf32>, vector<128x32xf32>, vector<2176x128xf32> -> vector<2176x128xf32>
    %sub3A_38 = vector.broadcast %get3A_6 : vector<2176x1xf32> to vector<2176x128xf32>
    %sub3A_39 = arith.subf %sub3A_38, %dot_general3A_37 : vector<2176x128xf32>
    %get3A_40 = arith.constant 0 : index
    %get3A_41 = arith.constant 256 : index
    %get3A_42 = vector.load %arg11[%get3A_40, %get3A_41] : memref<1x2048xf32, #tpu.memory_space<vmem>>, vector<1x128xf32>
    %add3A_43 = vector.broadcast %get3A_42 : vector<1x128xf32> to vector<2176x128xf32>
    %add3A_44 = arith.addf %sub3A_39, %add3A_43 : vector<2176x128xf32>
    %lt3A_45 = arith.cmpf olt, %add3A_44, %select_n3A_32 : vector<2176x128xf32>
    %add3A_46 = arith.constant 256 : i32
    %add3A_47 = vector.broadcast %add3A_46 : i32 to vector<2176x128xi32>
    %add3A_48 = arith.addi %iota3A, %add3A_47 : vector<2176x128xi32>
    %select_n3A_49 = arith.select %lt3A_45, %add3A_48, %select_n3A : vector<2176x128xi1>, vector<2176x128xi32>
    %select_n3A_50 = arith.select %lt3A_45, %add3A_44, %select_n3A_32 : vector<2176x128xi1>, vector<2176x128xf32>
    %get3A_51 = arith.constant 384 : index
    %get3A_52 = arith.constant 0 : index
    %get3A_53 = vector.load %arg10[%get3A_51, %get3A_52] : memref<2048x32xf32, #tpu.memory_space<vmem>>, vector<128x32xf32>
    %dot_general3A_54 = arith.constant dense<0.000000e+00> : vector<2176x128xf32>
    %dot_general3A_55 = tpu.matmul %add3A, %get3A_53, %dot_general3A_54 {dimension_numbers = #tpu.dot_dimension_numbers<[1], [1], [0], [0], [0, 0, 1, 0], [], []>, transpose_lhs_hint = false} : vector<2176x32xf32>, vector<128x32xf32>, vector<2176x128xf32> -> vector<2176x128xf32>
    %sub3A_56 = vector.broadcast %get3A_6 : vector<2176x1xf32> to vector<2176x128xf32>
    %sub3A_57 = arith.subf %sub3A_56, %dot_general3A_55 : vector<2176x128xf32>
    %get3A_58 = arith.constant 0 : index
    %get3A_59 = arith.constant 384 : index
    %get3A_60 = vector.load %arg11[%get3A_58, %get3A_59] : memref<1x2048xf32, #tpu.memory_space<vmem>>, vector<1x128xf32>
    %add3A_61 = vector.broadcast %get3A_60 : vector<1x128xf32> to vector<2176x128xf32>
    %add3A_62 = arith.addf %sub3A_57, %add3A_61 : vector<2176x128xf32>
    %lt3A_63 = arith.cmpf olt, %add3A_62, %select_n3A_50 : vector<2176x128xf32>
    %add3A_64 = arith.constant 384 : i32
    %add3A_65 = vector.broadcast %add3A_64 : i32 to vector<2176x128xi32>
    %add3A_66 = arith.addi %iota3A, %add3A_65 : vector<2176x128xi32>
    %select_n3A_67 = arith.select %lt3A_63, %add3A_66, %select_n3A_49 : vector<2176x128xi1>, vector<2176x128xi32>
    %select_n3A_68 = arith.select %lt3A_63, %add3A_62, %select_n3A_50 : vector<2176x128xi1>, vector<2176x128xf32>
    %get3A_69 = arith.constant 512 : index
    %get3A_70 = arith.constant 0 : index
    %get3A_71 = vector.load %arg10[%get3A_69, %get3A_70] : memref<2048x32xf32, #tpu.memory_space<vmem>>, vector<128x32xf32>
    %dot_general3A_72 = arith.constant dense<0.000000e+00> : vector<2176x128xf32>
    %dot_general3A_73 = tpu.matmul %add3A, %get3A_71, %dot_general3A_72 {dimension_numbers = #tpu.dot_dimension_numbers<[1], [1], [0], [0], [0, 0, 1, 0], [], []>, transpose_lhs_hint = false} : vector<2176x32xf32>, vector<128x32xf32>, vector<2176x128xf32> -> vector<2176x128xf32>
    %sub3A_74 = vector.broadcast %get3A_6 : vector<2176x1xf32> to vector<2176x128xf32>
    %sub3A_75 = arith.subf %sub3A_74, %dot_general3A_73 : vector<2176x128xf32>
    %get3A_76 = arith.constant 0 : index
    %get3A_77 = arith.constant 512 : index
    %get3A_78 = vector.load %arg11[%get3A_76, %get3A_77] : memref<1x2048xf32, #tpu.memory_space<vmem>>, vector<1x128xf32>
    %add3A_79 = vector.broadcast %get3A_78 : vector<1x128xf32> to vector<2176x128xf32>
    %add3A_80 = arith.addf %sub3A_75, %add3A_79 : vector<2176x128xf32>
    %lt3A_81 = arith.cmpf olt, %add3A_80, %select_n3A_68 : vector<2176x128xf32>
    %add3A_82 = arith.constant 512 : i32
    %add3A_83 = vector.broadcast %add3A_82 : i32 to vector<2176x128xi32>
    %add3A_84 = arith.addi %iota3A, %add3A_83 : vector<2176x128xi32>
    %select_n3A_85 = arith.select %lt3A_81, %add3A_84, %select_n3A_67 : vector<2176x128xi1>, vector<2176x128xi32>
    %select_n3A_86 = arith.select %lt3A_81, %add3A_80, %select_n3A_68 : vector<2176x128xi1>, vector<2176x128xf32>
    %get3A_87 = arith.constant 640 : index
    %get3A_88 = arith.constant 0 : index
    %get3A_89 = vector.load %arg10[%get3A_87, %get3A_88] : memref<2048x32xf32, #tpu.memory_space<vmem>>, vector<128x32xf32>
    %dot_general3A_90 = arith.constant dense<0.000000e+00> : vector<2176x128xf32>
    %dot_general3A_91 = tpu.matmul %add3A, %get3A_89, %dot_general3A_90 {dimension_numbers = #tpu.dot_dimension_numbers<[1], [1], [0], [0], [0, 0, 1, 0], [], []>, transpose_lhs_hint = false} : vector<2176x32xf32>, vector<128x32xf32>, vector<2176x128xf32> -> vector<2176x128xf32>
    %sub3A_92 = vector.broadcast %get3A_6 : vector<2176x1xf32> to vector<2176x128xf32>
    %sub3A_93 = arith.subf %sub3A_92, %dot_general3A_91 : vector<2176x128xf32>
    %get3A_94 = arith.constant 0 : index
    %get3A_95 = arith.constant 640 : index
    %get3A_96 = vector.load %arg11[%get3A_94, %get3A_95] : memref<1x2048xf32, #tpu.memory_space<vmem>>, vector<1x128xf32>
    %add3A_97 = vector.broadcast %get3A_96 : vector<1x128xf32> to vector<2176x128xf32>
    %add3A_98 = arith.addf %sub3A_93, %add3A_97 : vector<2176x128xf32>
    %lt3A_99 = arith.cmpf olt, %add3A_98, %select_n3A_86 : vector<2176x128xf32>
    %add3A_100 = arith.constant 640 : i32
    %add3A_101 = vector.broadcast %add3A_100 : i32 to vector<2176x128xi32>
    %add3A_102 = arith.addi %iota3A, %add3A_101 : vector<2176x128xi32>
    %select_n3A_103 = arith.select %lt3A_99, %add3A_102, %select_n3A_85 : vector<2176x128xi1>, vector<2176x128xi32>
    %select_n3A_104 = arith.select %lt3A_99, %add3A_98, %select_n3A_86 : vector<2176x128xi1>, vector<2176x128xf32>
    %get3A_105 = arith.constant 768 : index
    %get3A_106 = arith.constant 0 : index
    %get3A_107 = vector.load %arg10[%get3A_105, %get3A_106] : memref<2048x32xf32, #tpu.memory_space<vmem>>, vector<128x32xf32>
    %dot_general3A_108 = arith.constant dense<0.000000e+00> : vector<2176x128xf32>
    %dot_general3A_109 = tpu.matmul %add3A, %get3A_107, %dot_general3A_108 {dimension_numbers = #tpu.dot_dimension_numbers<[1], [1], [0], [0], [0, 0, 1, 0], [], []>, transpose_lhs_hint = false} : vector<2176x32xf32>, vector<128x32xf32>, vector<2176x128xf32> -> vector<2176x128xf32>
    %sub3A_110 = vector.broadcast %get3A_6 : vector<2176x1xf32> to vector<2176x128xf32>
    %sub3A_111 = arith.subf %sub3A_110, %dot_general3A_109 : vector<2176x128xf32>
    %get3A_112 = arith.constant 0 : index
    %get3A_113 = arith.constant 768 : index
    %get3A_114 = vector.load %arg11[%get3A_112, %get3A_113] : memref<1x2048xf32, #tpu.memory_space<vmem>>, vector<1x128xf32>
    %add3A_115 = vector.broadcast %get3A_114 : vector<1x128xf32> to vector<2176x128xf32>
    %add3A_116 = arith.addf %sub3A_111, %add3A_115 : vector<2176x128xf32>
    %lt3A_117 = arith.cmpf olt, %add3A_116, %select_n3A_104 : vector<2176x128xf32>
    %add3A_118 = arith.constant 768 : i32
    %add3A_119 = vector.broadcast %add3A_118 : i32 to vector<2176x128xi32>
    %add3A_120 = arith.addi %iota3A, %add3A_119 : vector<2176x128xi32>
    %select_n3A_121 = arith.select %lt3A_117, %add3A_120, %select_n3A_103 : vector<2176x128xi1>, vector<2176x128xi32>
    %select_n3A_122 = arith.select %lt3A_117, %add3A_116, %select_n3A_104 : vector<2176x128xi1>, vector<2176x128xf32>
    %get3A_123 = arith.constant 896 : index
    %get3A_124 = arith.constant 0 : index
    %get3A_125 = vector.load %arg10[%get3A_123, %get3A_124] : memref<2048x32xf32, #tpu.memory_space<vmem>>, vector<128x32xf32>
    %dot_general3A_126 = arith.constant dense<0.000000e+00> : vector<2176x128xf32>
    %dot_general3A_127 = tpu.matmul %add3A, %get3A_125, %dot_general3A_126 {dimension_numbers = #tpu.dot_dimension_numbers<[1], [1], [0], [0], [0, 0, 1, 0], [], []>, transpose_lhs_hint = false} : vector<2176x32xf32>, vector<128x32xf32>, vector<2176x128xf32> -> vector<2176x128xf32>
    %sub3A_128 = vector.broadcast %get3A_6 : vector<2176x1xf32> to vector<2176x128xf32>
    %sub3A_129 = arith.subf %sub3A_128, %dot_general3A_127 : vector<2176x128xf32>
    %get3A_130 = arith.constant 0 : index
    %get3A_131 = arith.constant 896 : index
    %get3A_132 = vector.load %arg11[%get3A_130, %get3A_131] : memref<1x2048xf32, #tpu.memory_space<vmem>>, vector<1x128xf32>
    %add3A_133 = vector.broadcast %get3A_132 : vector<1x128xf32> to vector<2176x128xf32>
    %add3A_134 = arith.addf %sub3A_129, %add3A_133 : vector<2176x128xf32>
    %lt3A_135 = arith.cmpf olt, %add3A_134, %select_n3A_122 : vector<2176x128xf32>
    %add3A_136 = arith.constant 896 : i32
    %add3A_137 = vector.broadcast %add3A_136 : i32 to vector<2176x128xi32>
    %add3A_138 = arith.addi %iota3A, %add3A_137 : vector<2176x128xi32>
    %select_n3A_139 = arith.select %lt3A_135, %add3A_138, %select_n3A_121 : vector<2176x128xi1>, vector<2176x128xi32>
    %select_n3A_140 = arith.select %lt3A_135, %add3A_134, %select_n3A_122 : vector<2176x128xi1>, vector<2176x128xf32>
    %get3A_141 = arith.constant 1024 : index
    %get3A_142 = arith.constant 0 : index
    %get3A_143 = vector.load %arg10[%get3A_141, %get3A_142] : memref<2048x32xf32, #tpu.memory_space<vmem>>, vector<128x32xf32>
    %dot_general3A_144 = arith.constant dense<0.000000e+00> : vector<2176x128xf32>
    %dot_general3A_145 = tpu.matmul %add3A, %get3A_143, %dot_general3A_144 {dimension_numbers = #tpu.dot_dimension_numbers<[1], [1], [0], [0], [0, 0, 1, 0], [], []>, transpose_lhs_hint = false} : vector<2176x32xf32>, vector<128x32xf32>, vector<2176x128xf32> -> vector<2176x128xf32>
    %sub3A_146 = vector.broadcast %get3A_6 : vector<2176x1xf32> to vector<2176x128xf32>
    %sub3A_147 = arith.subf %sub3A_146, %dot_general3A_145 : vector<2176x128xf32>
    %get3A_148 = arith.constant 0 : index
    %get3A_149 = arith.constant 1024 : index
    %get3A_150 = vector.load %arg11[%get3A_148, %get3A_149] : memref<1x2048xf32, #tpu.memory_space<vmem>>, vector<1x128xf32>
    %add3A_151 = vector.broadcast %get3A_150 : vector<1x128xf32> to vector<2176x128xf32>
    %add3A_152 = arith.addf %sub3A_147, %add3A_151 : vector<2176x128xf32>
    %lt3A_153 = arith.cmpf olt, %add3A_152, %select_n3A_140 : vector<2176x128xf32>
    %add3A_154 = arith.constant 1024 : i32
    %add3A_155 = vector.broadcast %add3A_154 : i32 to vector<2176x128xi32>
    %add3A_156 = arith.addi %iota3A, %add3A_155 : vector<2176x128xi32>
    %select_n3A_157 = arith.select %lt3A_153, %add3A_156, %select_n3A_139 : vector<2176x128xi1>, vector<2176x128xi32>
    %select_n3A_158 = arith.select %lt3A_153, %add3A_152, %select_n3A_140 : vector<2176x128xi1>, vector<2176x128xf32>
    %get3A_159 = arith.constant 1152 : index
    %get3A_160 = arith.constant 0 : index
    %get3A_161 = vector.load %arg10[%get3A_159, %get3A_160] : memref<2048x32xf32, #tpu.memory_space<vmem>>, vector<128x32xf32>
    %dot_general3A_162 = arith.constant dense<0.000000e+00> : vector<2176x128xf32>
    %dot_general3A_163 = tpu.matmul %add3A, %get3A_161, %dot_general3A_162 {dimension_numbers = #tpu.dot_dimension_numbers<[1], [1], [0], [0], [0, 0, 1, 0], [], []>, transpose_lhs_hint = false} : vector<2176x32xf32>, vector<128x32xf32>, vector<2176x128xf32> -> vector<2176x128xf32>
    %sub3A_164 = vector.broadcast %get3A_6 : vector<2176x1xf32> to vector<2176x128xf32>
    %sub3A_165 = arith.subf %sub3A_164, %dot_general3A_163 : vector<2176x128xf32>
    %get3A_166 = arith.constant 0 : index
    %get3A_167 = arith.constant 1152 : index
    %get3A_168 = vector.load %arg11[%get3A_166, %get3A_167] : memref<1x2048xf32, #tpu.memory_space<vmem>>, vector<1x128xf32>
    %add3A_169 = vector.broadcast %get3A_168 : vector<1x128xf32> to vector<2176x128xf32>
    %add3A_170 = arith.addf %sub3A_165, %add3A_169 : vector<2176x128xf32>
    %lt3A_171 = arith.cmpf olt, %add3A_170, %select_n3A_158 : vector<2176x128xf32>
    %add3A_172 = arith.constant 1152 : i32
    %add3A_173 = vector.broadcast %add3A_172 : i32 to vector<2176x128xi32>
    %add3A_174 = arith.addi %iota3A, %add3A_173 : vector<2176x128xi32>
    %select_n3A_175 = arith.select %lt3A_171, %add3A_174, %select_n3A_157 : vector<2176x128xi1>, vector<2176x128xi32>
    %select_n3A_176 = arith.select %lt3A_171, %add3A_170, %select_n3A_158 : vector<2176x128xi1>, vector<2176x128xf32>
    %get3A_177 = arith.constant 1280 : index
    %get3A_178 = arith.constant 0 : index
    %get3A_179 = vector.load %arg10[%get3A_177, %get3A_178] : memref<2048x32xf32, #tpu.memory_space<vmem>>, vector<128x32xf32>
    %dot_general3A_180 = arith.constant dense<0.000000e+00> : vector<2176x128xf32>
    %dot_general3A_181 = tpu.matmul %add3A, %get3A_179, %dot_general3A_180 {dimension_numbers = #tpu.dot_dimension_numbers<[1], [1], [0], [0], [0, 0, 1, 0], [], []>, transpose_lhs_hint = false} : vector<2176x32xf32>, vector<128x32xf32>, vector<2176x128xf32> -> vector<2176x128xf32>
    %sub3A_182 = vector.broadcast %get3A_6 : vector<2176x1xf32> to vector<2176x128xf32>
    %sub3A_183 = arith.subf %sub3A_182, %dot_general3A_181 : vector<2176x128xf32>
    %get3A_184 = arith.constant 0 : index
    %get3A_185 = arith.constant 1280 : index
    %get3A_186 = vector.load %arg11[%get3A_184, %get3A_185] : memref<1x2048xf32, #tpu.memory_space<vmem>>, vector<1x128xf32>
    %add3A_187 = vector.broadcast %get3A_186 : vector<1x128xf32> to vector<2176x128xf32>
    %add3A_188 = arith.addf %sub3A_183, %add3A_187 : vector<2176x128xf32>
    %lt3A_189 = arith.cmpf olt, %add3A_188, %select_n3A_176 : vector<2176x128xf32>
    %add3A_190 = arith.constant 1280 : i32
    %add3A_191 = vector.broadcast %add3A_190 : i32 to vector<2176x128xi32>
    %add3A_192 = arith.addi %iota3A, %add3A_191 : vector<2176x128xi32>
    %select_n3A_193 = arith.select %lt3A_189, %add3A_192, %select_n3A_175 : vector<2176x128xi1>, vector<2176x128xi32>
    %select_n3A_194 = arith.select %lt3A_189, %add3A_188, %select_n3A_176 : vector<2176x128xi1>, vector<2176x128xf32>
    %get3A_195 = arith.constant 1408 : index
    %get3A_196 = arith.constant 0 : index
    %get3A_197 = vector.load %arg10[%get3A_195, %get3A_196] : memref<2048x32xf32, #tpu.memory_space<vmem>>, vector<128x32xf32>
    %dot_general3A_198 = arith.constant dense<0.000000e+00> : vector<2176x128xf32>
    %dot_general3A_199 = tpu.matmul %add3A, %get3A_197, %dot_general3A_198 {dimension_numbers = #tpu.dot_dimension_numbers<[1], [1], [0], [0], [0, 0, 1, 0], [], []>, transpose_lhs_hint = false} : vector<2176x32xf32>, vector<128x32xf32>, vector<2176x128xf32> -> vector<2176x128xf32>
    %sub3A_200 = vector.broadcast %get3A_6 : vector<2176x1xf32> to vector<2176x128xf32>
    %sub3A_201 = arith.subf %sub3A_200, %dot_general3A_199 : vector<2176x128xf32>
    %get3A_202 = arith.constant 0 : index
    %get3A_203 = arith.constant 1408 : index
    %get3A_204 = vector.load %arg11[%get3A_202, %get3A_203] : memref<1x2048xf32, #tpu.memory_space<vmem>>, vector<1x128xf32>
    %add3A_205 = vector.broadcast %get3A_204 : vector<1x128xf32> to vector<2176x128xf32>
    %add3A_206 = arith.addf %sub3A_201, %add3A_205 : vector<2176x128xf32>
    %lt3A_207 = arith.cmpf olt, %add3A_206, %select_n3A_194 : vector<2176x128xf32>
    %add3A_208 = arith.constant 1408 : i32
    %add3A_209 = vector.broadcast %add3A_208 : i32 to vector<2176x128xi32>
    %add3A_210 = arith.addi %iota3A, %add3A_209 : vector<2176x128xi32>
    %select_n3A_211 = arith.select %lt3A_207, %add3A_210, %select_n3A_193 : vector<2176x128xi1>, vector<2176x128xi32>
    %select_n3A_212 = arith.select %lt3A_207, %add3A_206, %select_n3A_194 : vector<2176x128xi1>, vector<2176x128xf32>
    %get3A_213 = arith.constant 1536 : index
    %get3A_214 = arith.constant 0 : index
    %get3A_215 = vector.load %arg10[%get3A_213, %get3A_214] : memref<2048x32xf32, #tpu.memory_space<vmem>>, vector<128x32xf32>
    %dot_general3A_216 = arith.constant dense<0.000000e+00> : vector<2176x128xf32>
    %dot_general3A_217 = tpu.matmul %add3A, %get3A_215, %dot_general3A_216 {dimension_numbers = #tpu.dot_dimension_numbers<[1], [1], [0], [0], [0, 0, 1, 0], [], []>, transpose_lhs_hint = false} : vector<2176x32xf32>, vector<128x32xf32>, vector<2176x128xf32> -> vector<2176x128xf32>
    %sub3A_218 = vector.broadcast %get3A_6 : vector<2176x1xf32> to vector<2176x128xf32>
    %sub3A_219 = arith.subf %sub3A_218, %dot_general3A_217 : vector<2176x128xf32>
    %get3A_220 = arith.constant 0 : index
    %get3A_221 = arith.constant 1536 : index
    %get3A_222 = vector.load %arg11[%get3A_220, %get3A_221] : memref<1x2048xf32, #tpu.memory_space<vmem>>, vector<1x128xf32>
    %add3A_223 = vector.broadcast %get3A_222 : vector<1x128xf32> to vector<2176x128xf32>
    %add3A_224 = arith.addf %sub3A_219, %add3A_223 : vector<2176x128xf32>
    %lt3A_225 = arith.cmpf olt, %add3A_224, %select_n3A_212 : vector<2176x128xf32>
    %add3A_226 = arith.constant 1536 : i32
    %add3A_227 = vector.broadcast %add3A_226 : i32 to vector<2176x128xi32>
    %add3A_228 = arith.addi %iota3A, %add3A_227 : vector<2176x128xi32>
    %select_n3A_229 = arith.select %lt3A_225, %add3A_228, %select_n3A_211 : vector<2176x128xi1>, vector<2176x128xi32>
    %select_n3A_230 = arith.select %lt3A_225, %add3A_224, %select_n3A_212 : vector<2176x128xi1>, vector<2176x128xf32>
    %get3A_231 = arith.constant 1664 : index
    %get3A_232 = arith.constant 0 : index
    %get3A_233 = vector.load %arg10[%get3A_231, %get3A_232] : memref<2048x32xf32, #tpu.memory_space<vmem>>, vector<128x32xf32>
    %dot_general3A_234 = arith.constant dense<0.000000e+00> : vector<2176x128xf32>
    %dot_general3A_235 = tpu.matmul %add3A, %get3A_233, %dot_general3A_234 {dimension_numbers = #tpu.dot_dimension_numbers<[1], [1], [0], [0], [0, 0, 1, 0], [], []>, transpose_lhs_hint = false} : vector<2176x32xf32>, vector<128x32xf32>, vector<2176x128xf32> -> vector<2176x128xf32>
    %sub3A_236 = vector.broadcast %get3A_6 : vector<2176x1xf32> to vector<2176x128xf32>
    %sub3A_237 = arith.subf %sub3A_236, %dot_general3A_235 : vector<2176x128xf32>
    %get3A_238 = arith.constant 0 : index
    %get3A_239 = arith.constant 1664 : index
    %get3A_240 = vector.load %arg11[%get3A_238, %get3A_239] : memref<1x2048xf32, #tpu.memory_space<vmem>>, vector<1x128xf32>
    %add3A_241 = vector.broadcast %get3A_240 : vector<1x128xf32> to vector<2176x128xf32>
    %add3A_242 = arith.addf %sub3A_237, %add3A_241 : vector<2176x128xf32>
    %lt3A_243 = arith.cmpf olt, %add3A_242, %select_n3A_230 : vector<2176x128xf32>
    %add3A_244 = arith.constant 1664 : i32
    %add3A_245 = vector.broadcast %add3A_244 : i32 to vector<2176x128xi32>
    %add3A_246 = arith.addi %iota3A, %add3A_245 : vector<2176x128xi32>
    %select_n3A_247 = arith.select %lt3A_243, %add3A_246, %select_n3A_229 : vector<2176x128xi1>, vector<2176x128xi32>
    %select_n3A_248 = arith.select %lt3A_243, %add3A_242, %select_n3A_230 : vector<2176x128xi1>, vector<2176x128xf32>
    %get3A_249 = arith.constant 1792 : index
    %get3A_250 = arith.constant 0 : index
    %get3A_251 = vector.load %arg10[%get3A_249, %get3A_250] : memref<2048x32xf32, #tpu.memory_space<vmem>>, vector<128x32xf32>
    %dot_general3A_252 = arith.constant dense<0.000000e+00> : vector<2176x128xf32>
    %dot_general3A_253 = tpu.matmul %add3A, %get3A_251, %dot_general3A_252 {dimension_numbers = #tpu.dot_dimension_numbers<[1], [1], [0], [0], [0, 0, 1, 0], [], []>, transpose_lhs_hint = false} : vector<2176x32xf32>, vector<128x32xf32>, vector<2176x128xf32> -> vector<2176x128xf32>
    %sub3A_254 = vector.broadcast %get3A_6 : vector<2176x1xf32> to vector<2176x128xf32>
    %sub3A_255 = arith.subf %sub3A_254, %dot_general3A_253 : vector<2176x128xf32>
    %get3A_256 = arith.constant 0 : index
    %get3A_257 = arith.constant 1792 : index
    %get3A_258 = vector.load %arg11[%get3A_256, %get3A_257] : memref<1x2048xf32, #tpu.memory_space<vmem>>, vector<1x128xf32>
    %add3A_259 = vector.broadcast %get3A_258 : vector<1x128xf32> to vector<2176x128xf32>
    %add3A_260 = arith.addf %sub3A_255, %add3A_259 : vector<2176x128xf32>
    %lt3A_261 = arith.cmpf olt, %add3A_260, %select_n3A_248 : vector<2176x128xf32>
    %add3A_262 = arith.constant 1792 : i32
    %add3A_263 = vector.broadcast %add3A_262 : i32 to vector<2176x128xi32>
    %add3A_264 = arith.addi %iota3A, %add3A_263 : vector<2176x128xi32>
    %select_n3A_265 = arith.select %lt3A_261, %add3A_264, %select_n3A_247 : vector<2176x128xi1>, vector<2176x128xi32>
    %select_n3A_266 = arith.select %lt3A_261, %add3A_260, %select_n3A_248 : vector<2176x128xi1>, vector<2176x128xf32>
    %get3A_267 = arith.constant 1920 : index
    %get3A_268 = arith.constant 0 : index
    %get3A_269 = vector.load %arg10[%get3A_267, %get3A_268] : memref<2048x32xf32, #tpu.memory_space<vmem>>, vector<128x32xf32>
    %dot_general3A_270 = arith.constant dense<0.000000e+00> : vector<2176x128xf32>
    %dot_general3A_271 = tpu.matmul %add3A, %get3A_269, %dot_general3A_270 {dimension_numbers = #tpu.dot_dimension_numbers<[1], [1], [0], [0], [0, 0, 1, 0], [], []>, transpose_lhs_hint = false} : vector<2176x32xf32>, vector<128x32xf32>, vector<2176x128xf32> -> vector<2176x128xf32>
    %sub3A_272 = vector.broadcast %get3A_6 : vector<2176x1xf32> to vector<2176x128xf32>
    %sub3A_273 = arith.subf %sub3A_272, %dot_general3A_271 : vector<2176x128xf32>
    %get3A_274 = arith.constant 0 : index
    %get3A_275 = arith.constant 1920 : index
    %get3A_276 = vector.load %arg11[%get3A_274, %get3A_275] : memref<1x2048xf32, #tpu.memory_space<vmem>>, vector<1x128xf32>
    %add3A_277 = vector.broadcast %get3A_276 : vector<1x128xf32> to vector<2176x128xf32>
    %add3A_278 = arith.addf %sub3A_273, %add3A_277 : vector<2176x128xf32>
    %lt3A_279 = arith.cmpf olt, %add3A_278, %select_n3A_266 : vector<2176x128xf32>
    %add3A_280 = arith.constant 1920 : i32
    %add3A_281 = vector.broadcast %add3A_280 : i32 to vector<2176x128xi32>
    %add3A_282 = arith.addi %iota3A, %add3A_281 : vector<2176x128xi32>
    %select_n3A_283 = arith.select %lt3A_279, %add3A_282, %select_n3A_265 : vector<2176x128xi1>, vector<2176x128xi32>
    %select_n3A_284 = arith.select %lt3A_279, %add3A_278, %select_n3A_266 : vector<2176x128xi1>, vector<2176x128xf32>
    %reduce_min3A = arith.constant dense<0x7F800000> : vector<2176xf32>
    %reduce_min3A_285 = vector.multi_reduction <minimumf>, %select_n3A_284, %reduce_min3A [1] : vector<2176x128xf32> to vector<2176xf32>
    %broadcast_in_dim3A = vector.shape_cast %reduce_min3A_285 : vector<2176xf32> to vector<2176x1xf32>
    %eq3A_286 = vector.broadcast %broadcast_in_dim3A : vector<2176x1xf32> to vector<2176x128xf32>
    %eq3A_287 = arith.cmpf oeq, %select_n3A_284, %eq3A_286 : vector<2176x128xf32>
    %jit3A = arith.constant 1073741824 : i32
    %broadcast_in_dim3A_288 = vector.broadcast %jit3A : i32 to vector<2176x128xi32>
    %select_n3A_289 = arith.select %eq3A_287, %select_n3A_283, %broadcast_in_dim3A_288 : vector<2176x128xi1>, vector<2176x128xi32>
    %reduce_min3A_290 = arith.constant dense<2147483647> : vector<2176xi32>
    %reduce_min3A_291 = vector.multi_reduction <minsi>, %select_n3A_289, %reduce_min3A_290 [1] : vector<2176x128xi32> to vector<2176xi32>
    %broadcast_in_dim3A_292 = vector.shape_cast %reduce_min3A_291 : vector<2176xi32> to vector<2176x1xi32>
    %mul3A = arith.constant 2048 : i32
    %mul3A_293 = arith.muli %arg1, %mul3A : i32
    %add3A_294 = vector.broadcast %mul3A_293 : i32 to vector<2176x1xi32>
    %add3A_295 = arith.addi %broadcast_in_dim3A_292, %add3A_294 : vector<2176x1xi32>
    %get3A_296 = arith.constant 0 : index
    %get3A_297 = arith.constant 0 : index
    %get3A_298 = vector.load %arg16[%get3A_296, %get3A_297] : memref<2176x1xf32, #tpu.memory_space<vmem>>, vector<2176x1xf32>
    %lt3A_299 = arith.cmpf olt, %broadcast_in_dim3A, %get3A_298 : vector<2176x1xf32>
    %get3A_300 = arith.constant 0 : index
    %get3A_301 = arith.constant 0 : index
    %get3A_302 = vector.load %arg17[%get3A_300, %get3A_301] : memref<2176x1xi32, #tpu.memory_space<vmem>>, vector<2176x1xi32>
    %select_n3A_303 = arith.select %lt3A_299, %add3A_295, %get3A_302 : vector<2176x1xi1>, vector<2176x1xi32>
    %swap3A = arith.constant 0 : index
    %swap3A_304 = arith.constant 0 : index
    %swap3A_305 = vector.load %arg17[%swap3A, %swap3A_304] : memref<2176x1xi32, #tpu.memory_space<vmem>>, vector<2176x1xi32>
    tpu.vector_store %arg17[%swap3A, %swap3A_304], %select_n3A_303 {strides = array<i32>} : memref<2176x1xi32, #tpu.memory_space<vmem>>, vector<2176x1xi32>,
    %select_n3A_306 = arith.select %lt3A_299, %broadcast_in_dim3A, %get3A_298 : vector<2176x1xi1>, vector<2176x1xf32>
    %convert_element_type3A_307 = arith.truncf %select_n3A_306 : vector<2176x1xf32> to vector<2176x1xbf16>
    %convert_element_type3A_308 = arith.extf %convert_element_type3A_307 : vector<2176x1xbf16> to vector<2176x1xf32>
    %swap3A_309 = arith.constant 0 : index
    %swap3A_310 = arith.constant 0 : index
    %swap3A_311 = vector.load %arg16[%swap3A_309, %swap3A_310] : memref<2176x1xf32, #tpu.memory_space<vmem>>, vector<2176x1xf32>
    tpu.vector_store %arg16[%swap3A_309, %swap3A_310], %convert_element_type3A_308 {strides = array<i32>} : memref<2176x1xf32, #tpu.memory_space<vmem>>, vector<2176x1xf32>,
    %eq3A_312 = arith.constant 3 : i32
    %eq3A_313 = arith.cmpi eq, %arg1, %eq3A_312 : i32
    %convert_element_type3A_314 = arith.extui %eq3A_313 : i1 to i32
    %cond3A_315 = arith.constant 0 : i32
    %cond3A_316 = arith.cmpi ne, %convert_element_type3A_314, %cond3A_315 : i32
    scf.if %cond3A_316 {
      %get3A_317 = arith.constant 0 : index
      %get3A_318 = arith.constant 0 : index
      %get3A_319 = vector.load %arg17[%get3A_317, %get3A_318] : memref<2176x1xi32, #tpu.memory_space<vmem>>, vector<2176x1xi32>
      %swap3A_320 = arith.constant 0 : index
      %swap3A_321 = arith.constant 0 : index
      %swap3A_322 = vector.load %arg13[%swap3A_320, %swap3A_321] : memref<2176x1xi32, #tpu.memory_space<vmem>>, vector<2176x1xi32>
      tpu.vector_store %arg13[%swap3A_320, %swap3A_321], %get3A_319 {strides = array<i32>} : memref<2176x1xi32, #tpu.memory_space<vmem>>, vector<2176x1xi32>,
    } else {
    }
    return
  }
  func.func @transform_0(%arg0: i32, %arg1: i32) -> (i32, i32) {
    %c0_i32 = arith.constant 0 : i32
    %c0_i32_0 = arith.constant 0 : i32
    return %arg0, %c0_i32 : i32, i32
  }
  func.func @transform_1(%arg0: i32, %arg1: i32) -> (i32, i32) {
    %c0_i32 = arith.constant 0 : i32
    %c0_i32_0 = arith.constant 0 : i32
    return %arg0, %c0_i32 : i32, i32
  }
  func.func @transform_2(%arg0: i32, %arg1: i32) -> (i32, i32) {
    %c0_i32 = arith.constant 0 : i32
    %c0_i32_0 = arith.constant 0 : i32
    %c0_i32_1 = arith.constant 0 : i32
    return %c0_i32, %c0_i32_0 : i32, i32
  }
  func.func @transform_3(%arg0: i32, %arg1: i32) -> (i32, i32) {
    %c0_i32 = arith.constant 0 : i32
    %c0_i32_0 = arith.constant 0 : i32
    %c0_i32_1 = arith.constant 0 : i32
    return %c0_i32, %c0_i32_0 : i32, i32
  }
  func.func @transform_4(%arg0: i32, %arg1: i32) -> (i32, i32) {
    %c0_i32 = arith.constant 0 : i32
    %c0_i32_0 = arith.constant 0 : i32
    %c0_i32_1 = arith.constant 0 : i32
    return %c0_i32, %c0_i32_0 : i32, i32
  }
  func.func @transform_5(%arg0: i32, %arg1: i32) -> (i32, i32) {
    %c0_i32 = arith.constant 0 : i32
    %c0_i32_0 = arith.constant 0 : i32
    %c0_i32_1 = arith.constant 0 : i32
    return %c0_i32, %c0_i32_0 : i32, i32
  }
  func.func @transform_6(%arg0: i32, %arg1: i32) -> (i32, i32) {
    %c0_i32 = arith.constant 0 : i32
    %c0_i32_0 = arith.constant 0 : i32
    %c0_i32_1 = arith.constant 0 : i32
    return %c0_i32, %c0_i32_0 : i32, i32
  }
  func.func @transform_7(%arg0: i32, %arg1: i32) -> (i32, i32) {
    %c0_i32 = arith.constant 0 : i32
    %c0_i32_0 = arith.constant 0 : i32
    %c0_i32_1 = arith.constant 0 : i32
    return %c0_i32, %c0_i32_0 : i32, i32
  }
  func.func @transform_8(%arg0: i32, %arg1: i32) -> (i32, i32) {
    %c0_i32 = arith.constant 0 : i32
    %c0_i32_0 = arith.constant 0 : i32
    return %arg1, %c0_i32 : i32, i32
  }
  func.func @transform_9(%arg0: i32, %arg1: i32) -> (i32, i32) {
    %c0_i32 = arith.constant 0 : i32
    %c0_i32_0 = arith.constant 0 : i32
    return %c0_i32, %arg1 : i32, i32
  }
  func.func @transform_10(%arg0: i32, %arg1: i32) -> (i32, i32) {
    %c0_i32 = arith.constant 0 : i32
    %c0_i32_0 = arith.constant 0 : i32
    return %arg0, %c0_i32 : i32, i32
  }
  func.func @transform_11(%arg0: i32, %arg1: i32) -> (i32, i32) {
    %c0_i32 = arith.constant 0 : i32
    %c0_i32_0 = arith.constant 0 : i32
    return %arg0, %c0_i32 : i32, i32
  }
}

</mosaic_0001>

<sc_bundles>
// kernel: kernel.4.cloned.1.call-start
scs
__scs_entry_jumppad:
0x0: {  	(pc) =	sbr.rel $0x88, $3  }
0x1: {  	(tag) =	ssettag $0x0;
	lr =	simm.s32 $0x1  }
0x2: {  	[smem:$0x3F98] =	sst lr;
	_ =	strace $0xD0000000  }
0x3: {  	_ = 	snop  }
0x4: {  	_ = 	snop  }
0x5: {  	_ = 	snop  }
0x6: {  	_ = 	snop  }
0x7: {  	_ = 	snop  }
__scs_overlays_trampoline_lowered:
0x8: {  	[smem:$0x3FA7] =	sst s0  }
0x9: {  	[smem:$0x3FA8] =	sst s1  }
0xa: {  	[smem:$0x3FA9] =	sst s2  }
0xb: {  	[smem:$0x3FAA] =	sst s3  }
0xc: {  	[smem:$0x3FAB] =	sst s4  }
0xd: {  	[smem:$0x3FAC] =	sst s5  }
0xe: {  	[smem:$0x3FAD] =	sst s6  }
0xf: {  	[smem:$0x3FAE] =	sst s7  }
0x10: {  	[smem:$0x3FAF] =	sst s8  }
0x11: {  	[smem:$0x3FB0] =	sst s9;
	s0 =	simm.s32 @!p0 $0x0  }
0x12: {  	s1 =	sld [smem:$0x3F96];
	s0 =	simm.s32 @p0 $0x1  }
0x13: {  	[smem:$0x3FB1] =	sst s0;
	s0 =	simm.s32 @!p1 $0x0  }
0x14: {  	s2 =	sld [smem:$0x3F95];
	s0 =	simm.s32 @p1 $0x1  }
0x15: {  	[smem:$0x3FB2] =	sst s0;
	s0 =	simm.s32 @!p2 $0x0  }
0x16: {  	s3 =	sld [smem:$0x3FDB];
	s0 =	simm.s32 @p2 $0x1  }
0x17: {  	s4 =	simm.s32 $0x1BF5;
	[smem:$0x3FB4] =	sst s0  }
0x18: {  	s0 =	sld [smem:$0x3F97];
	_ =	swait.ge [sflag:s4], $0x0  }
0x19: {  	s7 =	sld [smem:$0x3F98]  }
0x1a: {  	s8 =	sadd.s32 $0xFFFFE003, lr  }
0x1b: {  	s9 =	sadd.s32 $0xFFFFFEF7, lr;
	s5 =	simm.s32 $0xFFFFFFFF;
	p2 =	slt.u32 s8, $0xFFFFF086  }
0x1c: {  	p1 =	slt.u32 s9, $0xF7A;
	s5 =	simm.s32 @!p2 $0x0  }
0x1d: {  	s5 =	simm.s32 @p1 $0x1;
	p0 =	seq.s32 s7, s2  }
0x1e: {  	s7 =	smul.u32 @!p0 $0xF7A, s2;
	p2 =	seq.s32 @!p0 s5, $0x0  }
0x1f: {  	s9 =	smul.u32 $0xF7A, s1;
	s8 =	simm.s32 @!p0 $0x1BF5;
	p2 =	por !p2, p0  }
0x20: {  	[sflag:s8] =	ssyncset.s32 @!p0 $0xFFFFF086;
	s6 =	sadd.s32 @!p0 s3, s7;
	s7 =	simm.s32 @!p0 $0x108  }
0x21: {  	s3 =	sadd.s32 s3, s9;
	s6 =	sadd.s32 @!p0 $0x88, s6;
	s7 =	simm.s32 @p2 $0x1082  }
0x22: {  	[simem:s7], [sflag:s8] =	dma.local @!p0 [hbm:s6], $0xF7A  }
0x23: {  	s9 =	sor.u32 $0xD0000000, s2;
	s6 =	simm.s32 $0x108;
	_ =	swait.ge @!p0 [sflag:s8], $0x0  }
0x24: {  	s3 =	sadd.s32 $0x88, s3;
	s6 =	simm.s32 @!p1 $0x1082;
	[sflag:s4] =	ssyncset.s32 $0xFFFFF086  }
0x25: {  	[simem:s6], [sflag:s4] =	dma.local [hbm:s3], $0xF7A  }
0x26: {  	[smem:$0x3F98] =	sst s1;
	(tag) =	ssettag s2;
	_ =	strace s9  }
0x27: {  	s1 =	sld [smem:$0x3FA8]  }
0x28: {  	s2 =	sld [smem:$0x3FA9]  }
0x29: {  	s4 =	sld [smem:$0x3FAB]  }
0x2a: {  	p0 =	seq.s32 s5, $0x0;
	s5 =	sld [smem:$0x3FAC]  }
0x2b: {  	s6 =	sld [smem:$0x3FAD]  }
0x2c: {  	s7 =	sld [smem:$0x3FAE]  }
0x2d: {  	s3 =	simm.s32 $0x108;
	s8 =	sld [smem:$0x3FAF]  }
0x2e: {  	s3 =	simm.s32 @!p0 $0x1082;
	s9 =	sld [smem:$0x3FB0]  }
0x2f: {  	lr =	sadd.s32 s0, s3;
	s0 =	sld [smem:$0x3FA7]  }
0x30: {  	s3 =	sld [smem:$0x3FAA]  }
0x31: {  	[smem:$0x3FB3] =	sst s10  }
0x32: {  	s10 =	sld [smem:$0x3FB1];
	_ =	sdelay $0x3  }
0x33: {  	p0 =	seq.s32 s10, $0x1;
	s10 =	sld [smem:$0x3FB3];
	_ =	sdelay $0x3  }
0x34: {  	[smem:$0x3FB3] =	sst s10  }
0x35: {  	s10 =	sld [smem:$0x3FB2];
	_ =	sdelay $0x3  }
0x36: {  	p1 =	seq.s32 s10, $0x1;
	s10 =	sld [smem:$0x3FB3];
	_ =	sdelay $0x3  }
0x37: {  	[smem:$0x3FB3] =	sst s10  }
0x38: {  	s10 =	sld [smem:$0x3FB4]  }
0x39: {  	_ = 	snop;
	(pc) =	sbr.ind lr, $3  }
0x3a: {  	_ = 	snop  }
0x3b: {  	_ = 	snop  }
0x3c: {  	p2 =	seq.s32 s10, $0x1;
	s10 =	sld [smem:$0x3FB3]  }
0x3d: {  	_ =	shalt  }
0x3e: {  	_ =	shalt  }
0x3f: {  	_ =	shalt  }
0x40: {  	_ =	shalt  }
0x41: {  	_ =	shalt  }
0x42: {  	_ =	shalt  }
0x43: {  	_ =	shalt  }
0x44: {  	_ =	shalt  }
0x45: {  	_ =	shalt  }
0x46: {  	_ =	shalt  }
0x47: {  	_ =	shalt  }
0x48: {  	_ =	shalt  }
0x49: {  	_ =	shalt  }
0x4a: {  	_ =	shalt  }
0x4b: {  	_ =	shalt  }
0x4c: {  	_ =	shalt  }
0x4d: {  	_ =	shalt  }
0x4e: {  	_ =	shalt  }
0x4f: {  	_ =	shalt  }
0x50: {  	_ =	shalt  }
0x51: {  	_ =	shalt  }
0x52: {  	_ =	shalt  }
0x53: {  	_ =	shalt  }
0x54: {  	_ =	shalt  }
0x55: {  	_ =	shalt  }
0x56: {  	_ =	shalt  }
0x57: {  	_ =	shalt  }
0x58: {  	_ =	shalt  }
0x59: {  	_ =	shalt  }
0x5a: {  	_ =	shalt  }
0x5b: {  	_ =	shalt  }
0x5c: {  	_ =	shalt  }
0x5d: {  	_ =	shalt  }
0x5e: {  	_ =	shalt  }
0x5f: {  	_ =	shalt  }
0x60: {  	_ =	shalt  }
0x61: {  	_ =	shalt  }
0x62: {  	_ =	shalt  }
0x63: {  	_ =	shalt  }
0x64: {  	_ =	shalt  }
0x65: {  	_ =	shalt  }
0x66: {  	_ =	shalt  }
0x67: {  	_ =	shalt  }
0x68: {  	_ =	shalt  }
0x69: {  	_ =	shalt  }
0x6a: {  	_ =	shalt  }
0x6b: {  	_ =	shalt  }
0x6c: {  	_ =	shalt  }
0x6d: {  	_ =	shalt  }
0x6e: {  	_ =	shalt  }
0x6f: {  	_ =	shalt  }
0x70: {  	_ =	shalt  }
0x71: {  	_ =	shalt  }
0x72: {  	_ =	shalt  }
0x73: {  	_ =	shalt  }
0x74: {  	_ =	shalt  }
0x75: {  	_ =	shalt  }
0x76: {  	_ =	shalt  }
0x77: {  	_ =	shalt  }
0x78: {  	_ =	shalt  }
0x79: {  	_ =	shalt  }
0x7a: {  	_ =	shalt  }
0x7b: {  	_ =	shalt  }
0x7c: {  	_ =	shalt  }
0x7d: {  	_ =	shalt  }
0x7e: {  	_ =	shalt  }
0x7f: {  	_ =	shalt  }
0x80: {  	_ =	shalt  }
0x81: {  	_ =	shalt  }
0x82: {  	_ =	shalt  }
0x83: {  	_ =	shalt  }
0x84: {  	_ =	shalt  }
0x85: {  	_ =	shalt  }
0x86: {  	_ =	shalt  }
0x87: {  	_ =	shalt  }
.Lfunc_end0:
.L_simem_size_0:
called_computation_lowered:
.L_overlay_start_0:
0x88: {  	s2 =	sld [smem:$0x3FD9]  }
0x89: {  	s3 =	sld [smem:$0x3FFE];
	_ =	sdelay $0x1  }
0x8a: {  	s1 =	srdreg.scid  }
0x8b: {  	s0 =	sand.u32 $0x1, s1  }
0x8c: {  	s14 =	sshll.u32 s0, $0xA;
	s2 =	sadd.s32 s3, s2  }
0x8d: {  	s2 =	sadd.s32 s2, s14  }
0x8e: {  	[smem:$0x3FBF] =	sst s2  }
0x8f: {  	_ = 	snop  }
0x90: {  	s2 =	sld [smem:$0x3FD0];
	_ =	sdelay $0x2  }
0x91: {  	s15 =	simm.s32 $0xA;
	s4 =	simm.s32 $0x10  }
0x92: {  	[smem:s4], [sflag:s15] =	dma.local [hbm:s2], $0x1  }
0x93: {  	_ =	swait.eq [sflag:s15], $0x1  }
0x94: {  	[sflag:s15] =	ssyncset.done $0x0  }
0x95: {  	[sflag:s15] =	ssyncadd.s32 $0xFFFFFFFF  }
0x96: {  	s16 =	sld [smem:$0x10];
	(tm) =	ssettm $0x1  }
0x97: {  	s17 =	sld [smem:$0x3FFB];
	_ =	sdelay $0x3  }
0x98: {  	_ =	strace s17  }
0x99: {  	s3 =	sld [smem:$0x3FFC];
	_ =	sdelay $0x3  }
0x9a: {  	_ =	strace s3  }
0x9b: {  	s3 =	sld [smem:$0x3FFD];
	_ =	sdelay $0x3  }
0x9c: {  	_ =	strace s3  }
0x9d: {  	_ =	strace $0x8FFFFFFF  }
0x9e: {  	s18 =	sld [smem:$0x3FDB];
	_ =	sdelay $0x1  }
0x9f: {  	s19 =	simm.s32 $_scs_section_size  }
0xa0: {  	s5 =	simm.s32 $_size__tile_overlayer_lowered;
	s6 =	simm.s32 $_tile_overlayer_lowered  }
0xa1: {  	s22 =	simm.s32 $0x1BFF;
	s21 =	sshll.u32 s6, $0x1;
	s3 =	sadd.s32 s19, s18  }
0xa2: {  	s7 =	simm.s32 $0x0;
	s20 =	sshll.u32 s5, $0x1;
	s5 =	sadd.s32 s21, s3  }
0xa3: {  	[timem:s7], [sflag:s22] =	dma.local [hbm:s5], s20  }
0xa4: {  	_ =	swait.ge [sflag:s22], s20  }
0xa5: {  	s4 =	ssub.s32 $0x0, s20;
	[sflag:s22] =	ssyncset.done $0x0  }
0xa6: {  	[sflag:s22] =	ssyncadd.s32 s4;
	_ =	sdelay $0x1  }
0xa7: {  	s23 =	simm.s32 $0x1B8B  }
0xa8: {  	_ =	swait.ge [sflag:s23], $0x1  }
0xa9: {  	[sflag:s23] =	ssyncset.done $0x0  }
0xaa: {  	s25 =	simm.s32 $0x1B8E;
	s24 =	sld [smem:$0x3FFE];
	[sflag:s23] =	ssyncadd.s32 $0xFFFFFFFF  }
0xab: {  	s26 =	simm.s32 $execute0_lowered;
	[smem:$0x3FD2] =	sst s25  }
0xac: {  	s5 =	sshll.u32 s26, $0x1;
	_ =	strace $0x80000046;
	[dreg:$0x1] =	wrdreg $0xFFFFFFFF  }
0xad: {  	s28 =	simm.s32 $_size_execute0_lowered;
	s3 =	sadd.s32 s3, s5;
	[dreg:$0x0] =	wrdreg $0x0  }
0xae: {  	s5 =	sshll.u32 s28, $0x1;
	[dreg:$0x2] =	wrdreg s3  }
0xaf: {  	[dreg:$0x3] =	wrdreg s5  }
0xb0: {  	[dreg:$0x4] =	wrdreg $0xC0  }
0xb1: {  	_ =	task [dreg:s7], $0x5FFFF  }
0xb2: {  	[dreg:$0x1] =	wrdreg $0xFFFFFFFF  }
0xb3: {  	[dreg:$0x0] =	wrdreg $0x60  }
0xb4: {  	[dreg:$0x2] =	wrdreg s16  }
0xb5: {  	[dreg:$0x3] =	wrdreg s24  }
0xb6: {  	[dreg:$0x4] =	wrdreg $0x9  }
0xb7: {  	_ =	task.clear_ibuf [dreg:s7], $0x5FFFF;
	_ =	strace $0x90000046  }
0xb8: {  	s29 =	simm.s32 $0x9;
	_ =	strace $0x80000048  }
0xb9: {  	_ =	swait.ge [sflag:s29], $0x1  }
0xba: {  	[sflag:s29] =	ssyncadd.s32 $0xFFFFFFFF  }
0xbb: {  	_ =	strace $0x90000048  }
0xbc: {  	_ =	sfence  }
0xbd: {  	s30 =	sld [smem:$0x0];
	_ =	sdelay $0x2  }
0xbe: {  	s31 =	sshll.u32 s1, $0xD;
	s1 =	sshrl.u32 s1, $0x2  }
0xbf: {  	s3 =	sand.u32 $0x4000, s31;
	s1 =	sadd.s32 s1, s30  }
0xc0: {  	s0 =	sor.u32 s3, s0;
	s1 =	sshll.u32 s1, $0x11  }
0xc1: {  	s0 =	sor.u32 s1, s0  }
0xc2: {  	s0 =	sadd.s32 $0x8F2B, s0  }
0xc3: {  	[sflag:s0] =	ssyncadd.remote.s32 $0x1  }
0xc4: {  	_ =	sfence.sel $0xFFFF  }
0xc5: {  	[dreg:$0x0] =	wrdreg $0xFFFFFFFF;
	(pc) =	sbr.abs _section_cstart, $3  }
0xc6: {  	[dreg:$0x1] =	wrdreg $0xFFFFFFFF  }
0xc7: {  	_ =	task.clear_ibuf [dreg:s7], $0x2FFFF;
	_ =	strace $0x9FFFFFFF  }
0xc8: {  	(tm) =	ssettm $0x7FFFFFFF  }
0xc9: {  	_ =	shalt  }
tec
execute0_lowered:
.L_overlay_start_1:
0x0: {  	(tag) =	ssettag $0x1  }
0x1: {  	s2 =	rddreg [dreg:$0x0]  }
0x2: {  	s4 =	rddreg [dreg:$0x1]  }
0x3: {  	s0 =	rddreg [dreg:$0x2]  }
0x4: {  	s5 =	srdreg.scid;
	s1 =	stileid.u32;
	s3 =	simm.s32 $0x0  }
0x5: {  	s10 =	simm.s32 $0x80;
	s11 =	simm.s32 $0x100;
	s12 =	simm.s32 $0x1  }
0x6: {  	s13 =	simm.s32 $0x1100;
	s14 =	simm.s32 $0x2100;
	s15 =	simm.s32 $0x4100  }
0x7: {  	s5 =	sand.u32 $0x1, s5;
	s6 =	sshll.u32 s1, $0x1;
	[smem:$0x7FF] =	sst s3  }
0x8: {  	s16 =	simm.s32 $0x0;
	s6 =	sor.u32 s5, s6;
	_ =	strace $0x80000047  }
0x9: {  	s5 =	ssub.s32 $0x2, s5;
	s7 =	sshll.u32 s6, $0x5;
	s8 =	sshll.u32 s6, $0xA  }
0xa: {  	s6 =	sshll.u32 s6, $0x1;
	s9 =	sshrl.u32 s5, $0x1;
	s7 =	sadd.s32 s7, s4  }
0xb: {  	s8 =	sadd.s32 s8, s4;
	s6 =	sadd.s32 s6, s4;
	s9 =	ssub.s32 s5, s9  }
0xc: {  	s4 =	sadd.s32 $0xE00, s7;
	s5 =	sadd.s32 $0x1200, s8;
	s6 =	sadd.s32 $0x11200, s6  }
0xd: {  	s7 =	sadd.s32 $0x9200, s8;
	s8 =	smax.u32 s9, $0x1;
	s9 =	simm.s32 $0x2  }
.LBB2_1:
0xe: {  	[tilespmem:s3], [sflag:$0x2] =	stream.linear.gather [hbm4b:s4+s3], $0x100, $0x38;
	[tilespmem:$0x4110] =	vst v63  }
0xf: {  	_ =	swait.ge [sflag:s9], $0x100  }
0x10: {  	[sflag:s9] =	ssyncset.done $0x0  }
0x11: {  	[sflag:s9] =	ssyncadd.s32 $0xFFFFFF00  }
0x12: {  	[tilespmem:s11], [sflag:$0x1] =	stream.indirect.gather [hbm4b:s2+s10], $0x20, s3, s10, $0xb8;
	[tilespmem:$0x4110] =	vst v63  }
0x13: {  	_ =	swait.ge [sflag:s12], $0x1000  }
0x14: {  	[sflag:s12] =	ssyncset.done $0x0  }
0x15: {  	[sflag:s12] =	ssyncadd.s32 $0xFFFFF000  }
0x16: {  	[tilespmem:s13], [sflag:$0x1] =	stream.indirect.gather [hbm4b:s2+s10], $0x20, s10, s10, $0xb8;
	[tilespmem:$0x4110] =	vst v63  }
0x17: {  	_ =	swait.ge [sflag:s12], $0x1000  }
0x18: {  	[sflag:s12] =	ssyncset.done $0x0  }
0x19: {  	[sflag:s12] =	ssyncadd.s32 $0xFFFFF000  }
0x1a: {  	[tilespmem:s14], [sflag:$0x2] =	stream.linear.gather [hbm4b:s5+s3], $0x2000, $0x38;
	[tilespmem:$0x4110] =	vst v63  }
0x1b: {  	_ =	swait.ge [sflag:s9], $0x2000  }
0x1c: {  	[sflag:s9] =	ssyncset.done $0x0  }
0x1d: {  	s17 =	simm.s32 $0x0;
	[sflag:s9] =	ssyncadd.s32 $0xFFFFE000  }
0x1e: {  	v3 =	vld [tilespmem:s17+$0x2110]  }
0x1f: {  	v0 =	vld [tilespmem:s17+$0x2100]  }
0x20: {  	v1 =	vld [tilespmem:s17+$0x100]  }
0x21: {  	v2 =	vld [tilespmem:s17+$0x110];
	_ =	sdelay $0x3  }
0x22: {  	v5 =	vsub.f32 v1, v0  }
0x23: {  	v6 =	vsub.f32 v2, v3  }
0x24: {  	s18 =	simm.s32 $0x20;
	v4 =	vadd.f32 v5, v0;
	v2 =	vmul.f32 v5, v5  }
0x25: {  	s19 =	simm.s32 $0x100;
	v1 =	vimm.f32 $0.0e+00;
	v0 =	vld [tilespmem:s18+$0x2110];
	v5 =	vadd.f32 v6, v3;
	v3 =	vmul.f32 v6, v6  }
.LBB2_2:
0x26: {  	p0 =	sne.s32 s19, $0x7F80;
	v6 =	vld [tilespmem:s18+$0x2100];
	[tilespmem:s17+$0x100] =	vst v4;
	v1 =	vadd.f32 v2, v1  }
0x27: {  	v2 =	vld [tilespmem:s18+$0x100];
	[tilespmem:s17+$0x110] =	vst v5;
	s17 =	smov.u32 s18  }
0x28: {  	v4 =	vld [tilespmem:s17+$0x110];
	v1 =	vadd.f32 v3, v1;
	_ =	sdelay $0x2  }
.Ltmp0:
0x29: {  	(pc) =	sbr.rel @p0 .LBB2_2-.Ltmp0, $4  }
0x2a: {  	v2 =	vsub.f32 v2, v6  }
0x2b: {  	v3 =	vsub.f32 v4, v0  }
0x2c: {  	s18 =	sshra.s32 s19, $0x2;
	v4 =	vadd.f32 v2, v6;
	v2 =	vmul.f32 v2, v2  }
0x2d: {  	s19 =	sadd.s32 $0x80, s19;
	v5 =	vadd.f32 v3, v0;
	v0 =	vld [tilespmem:s18+$0x2110];
	v3 =	vmul.f32 v3, v3  }
0x2e: {  	v6 =	vld [tilespmem:s18+$0x2100];
	[tilespmem:s17+$0x100] =	vst v4  }
0x2f: {  	v4 =	vld [tilespmem:s18+$0x100]  }
0x30: {  	[tilespmem:s17+$0x110] =	vst v5  }
0x31: {  	v5 =	vld [tilespmem:s18+$0x110];
	_ =	sdelay $0x2  }
0x32: {  	v1 =	vadd.f32 v2, v1;
	v62 =	vsub.f32 v4, v6;
	_ =	sdelay $0x1  }
0x33: {  	v1 =	vadd.f32 v3, v1;
	v63 =	vsub.f32 v5, v0;
	v4 =	vmul.f32 v62, v62;
	_ =	sdelay $0x1  }
0x34: {  	v2 =	vadd.f32 v62, v6;
	v5 =	vmul.f32 v63, v63;
	v1 =	vadd.f32 v4, v1  }
0x35: {  	v0 =	vadd.f32 v63, v0  }
0x36: {  	[tilespmem:s18+$0x100] =	vst v2;
	v1 =	vadd.f32 v5, v1  }
0x37: {  	[tilespmem:s18+$0x110] =	vst v0  }
0x38: {  	[tilespmem:$0x4100] =	vst v1  }
0x39: {  	[hbm4b:s6+s3] =	stream.linear.scatter [tilespmem:s15], [sflag:$0x2], $0x10, $0x38;
	[tilespmem:$0x4110] =	vst v63  }
0x3a: {  	s16 =	sadd.s32 $0x1, s16;
	_ =	swait.ge [sflag:s9], $0x10  }
0x3b: {  	p0 =	sne.s32 s16, s8;
	[sflag:s9] =	ssyncset.done $0x0  }
.Ltmp1:
0x3c: {  	[sflag:s9] =	ssyncadd.s32 $0xFFFFFFF0;
	(pc) =	sbr.rel @p0 .LBB2_1-.Ltmp1, $4  }
0x3d: {  	[hbm4b:s7+s3] =	stream.linear.scatter [tilespmem:s11], [sflag:$0x2], $0x2000, $0x38;
	[tilespmem:$0x4110] =	vst v63  }
0x3e: {  	_ =	swait.ge [sflag:s9], $0x2000  }
0x3f: {  	[sflag:s9] =	ssyncset.done $0x0  }
0x40: {  	[sflag:s9] =	ssyncadd.s32 $0xFFFFE000  }
0x41: {  	_ =	sfence.sel $0x180000  }
0x42: {  	[bflag:$0x0] =	sbarrier.arrive $0xFFFF  }
0x43: {  	p0 =	sne.s32 s1, $0x0;
	_ =	strace $0x90000047  }
0x44: {  	s0 =	sadd.s32 @!p0 $0x100000, s0;
	[bflag:$0x2] =	sbarrier.arrive $0xFFFF  }
0x45: {  	[sflag:s0] =	ssyncadd.tile.s32 @!p0 $0x1;
	_ =	shalt  }
.Lfunc_end2:
_tile_overlayer_lowered:
.L_overlay_start_2:
0x46: {  	(tag) =	ssettag $0x2  }
0x47: {  	s0 =	rddreg [dreg:$0x0];
	s2 =	stileid.u32  }
0x48: {  	s1 =	rddreg [dreg:$0x1];
	p0 =	sne.s32 s2, $0x0  }
0x49: {  	s3 =	rddreg [dreg:$0x2];
	[bflag:$0x3] =	sbarrier.arrive $0xFFFF;
	s2 =	simm.s32 @!p0 $0x1C02  }
0x4a: {  	[timem:s3], [sflag:s2] =	dma.local @!p0 [hbm:s0], s1  }
0x4b: {  	s0 =	simm.s32 @!p0 $0x2  }
0x4c: {  	_ =	swait.ge @!p0 [sflag:s0], s1  }
0x4d: {  	s1 =	ssub.s32 @!p0 $0x0, s1;
	[sflag:s0] =	ssyncset.done @!p0 $0x0  }
0x4e: {  	[sflag:s0] =	ssyncadd.s32 @!p0 s1  }
0x4f: {  	[bflag:$0x3] =	sbarrier.arrive $0xFFFF  }
0x50: {  	_ =	shalt  }

</sc_bundles>
